<compile_context>
chip_gen: v7x
topology: tpu7x:2x2x1
jax: 0.10.2.dev20260603
libtpu: 0.0.44.dev20260713+nightly
codegen_flags: <defaults>
</compile_context>

<pallas_src>
import jax
import jax.numpy as jnp
from jax import lax
from jax.experimental import pallas as pl
from jax.experimental.pallas import tpu as pltpu
from jax.experimental.pallas import tpu_sc as plsc

NC = 2
NS = 16
NW = NC * NS

D = 128
SEQ = 50
BATCH = 4096
B_TOT = BATCH * SEQ
BPW = B_TOT // NW
C = 200
NBUF = 4
NCH = BPW // C


def _emb_body(idx_hbm, w_hbm, out_hbm, idx_v, rows0, rows1, rows2, rows3,
              gsem0, gsem1, gsem2, gsem3, ssem0, ssem1, ssem2, ssem3):
    wid = lax.axis_index("s") * NC + lax.axis_index("c")
    base = wid * BPW
    pltpu.sync_copy(idx_hbm.at[pl.ds(base, BPW)], idx_v)

    rows = (rows0, rows1, rows2, rows3)
    gsem = (gsem0, gsem1, gsem2, gsem3)
    ssem = (ssem0, ssem1, ssem2, ssem3)
    gdesc = [None] * NBUF
    sdesc = [None] * NBUF
    for i in range(NCH):
        b = i % NBUF
        if i >= NBUF:
            sdesc[b].wait()
        gdesc[b] = pltpu.async_copy(
            w_hbm.at[idx_v.at[pl.ds(i * C, C)]], rows[b], gsem[b])
        if i >= 1:
            pb = (i - 1) % NBUF
            gdesc[pb].wait()
            sdesc[pb] = pltpu.async_copy(
                rows[pb], out_hbm.at[pl.ds(base + (i - 1) * C, C)], ssem[pb])
    last = (NCH - 1) % NBUF
    gdesc[last].wait()
    sdesc[last] = pltpu.async_copy(
        rows[last], out_hbm.at[pl.ds(base + (NCH - 1) * C, C)], ssem[last])
    for i in range(NCH - NBUF + 1, NCH):
        sdesc[i % NBUF].wait()


def kernel(indices, weight):
    idx_t = indices.T.reshape(-1).astype(jnp.int32)
    mesh = plsc.VectorSubcoreMesh(
        core_axis_name="c", subcore_axis_name="s",
        num_cores=NC, num_subcores=NS)
    out = pl.kernel(
        _emb_body,
        out_type=jax.ShapeDtypeStruct((B_TOT, D), jnp.float32),
        mesh=mesh,
        scratch_types=(
            [pltpu.VMEM((BPW,), jnp.int32)]
            + [pltpu.VMEM((C, D), jnp.float32)] * NBUF
            + [pltpu.SemaphoreType.DMA] * (2 * NBUF)
        ),
    )(idx_t, weight)
    return jnp.swapaxes(out.reshape(SEQ, BATCH, D), 0, 1)

# --- scband reference (transcript-rebuilt; emitter-appended) ---
"""Pipeline reference for scband-embedding-58445914964334 (READ-ONLY COPY).

The authoritative reference and input builder live on the scoring server;
editing this copy changes nothing except your own understanding.
"""

import jax, jax.numpy as jnp
import numpy as np

NUM_EMBEDDINGS = 100000
EMBEDDING_DIM = 128
BATCH = 4096
SEQ_LEN = 50


def setup_inputs(seed: int = 0) -> dict:
    key = jax.random.key(seed)
    k_idx, k_w = jax.random.split(key)
    indices = jax.random.randint(k_idx, (BATCH, SEQ_LEN), 0, NUM_EMBEDDINGS, dtype=jnp.int64 if jax.config.jax_enable_x64 else jnp.int32)
    weight = jax.random.normal(k_w, (NUM_EMBEDDINGS, EMBEDDING_DIM), dtype=jnp.float32) * 0.02
    return {"indices": indices, "weight": weight}


def reference(indices, weight):
    # Embedding forward: out[b, s, :] = weight[indices[b, s], :]
    idx32 = indices.astype(jnp.int32)
    out = jnp.take(weight, idx32, axis=0)
    return out

if __name__ == "__main__":
    import jax
    _d = setup_inputs()
    print(jax.jit(kernel)(*tuple(_d.values())))

</pallas_src>

<mosaic_0001>
#map = affine_map<(d0, d1) -> (0)>
#map1 = affine_map<(d0, d1) -> (0, 0)>
module attributes {stable_mosaic.version = 14 : i64} {
  func.func @_emb_body(%arg0: i32, %arg1: i32, %arg2: memref<204800xi32, #tpu.memory_space<hbm>>, %arg3: memref<100000x128xf32, #tpu.memory_space<hbm>>, %arg4: memref<204800x128xf32, #tpu.memory_space<hbm>>, %arg5: memref<6400xi32, #tpu.memory_space<vmem>>, %arg6: memref<200x128xf32, #tpu.memory_space<vmem>>, %arg7: memref<200x128xf32, #tpu.memory_space<vmem>>, %arg8: memref<200x128xf32, #tpu.memory_space<vmem>>, %arg9: memref<200x128xf32, #tpu.memory_space<vmem>>, %arg10: memref<!tpu.dma_semaphore, #tpu.memory_space<semaphore_mem>>, %arg11: memref<!tpu.dma_semaphore, #tpu.memory_space<semaphore_mem>>, %arg12: memref<!tpu.dma_semaphore, #tpu.memory_space<semaphore_mem>>, %arg13: memref<!tpu.dma_semaphore, #tpu.memory_space<semaphore_mem>>, %arg14: memref<!tpu.dma_semaphore, #tpu.memory_space<semaphore_mem>>, %arg15: memref<!tpu.dma_semaphore, #tpu.memory_space<semaphore_mem>>, %arg16: memref<!tpu.dma_semaphore, #tpu.memory_space<semaphore_mem>>, %arg17: memref<!tpu.dma_semaphore, #tpu.memory_space<semaphore_mem>>) attributes {dimension_semantics = [#tpu.dimension_semantics<core_parallel>, #tpu.dimension_semantics<subcore_parallel>], iteration_bounds = array<i64: 2, 16>, scalar_prefetch = 0 : i64, scratch_operands = 13 : i64, tpu.core_type = #tpu.core_type<sc_vector_subcore>, window_params = [{transform_indices = #map}, {transform_indices = #map1}, {transform_indices = #map1}]} {
    %mul3A = arith.constant 2 : i32
    %mul3A_0 = arith.muli %arg1, %mul3A : i32
    %add3A = arith.addi %mul3A_0, %arg0 : i32
    %mul3A_1 = arith.constant 6400 : i32
    %mul3A_2 = arith.muli %add3A, %mul3A_1 : i32
    "tpu.region"() ({
      %run_scoped3A = tpu.sem_alloc : memref<!tpu.dma_semaphore, #tpu.memory_space<semaphore_mem>>
      %dma_start3A_637 = tpu.memref_slice %arg2[%mul3A_2] : memref<204800xi32, #tpu.memory_space<hbm>> -> memref<6400xi32, #tpu.memory_space<hbm>>
      %dma_start3A_638 = tpu.memref_slice %arg2[%mul3A_2] : memref<204800xi32, #tpu.memory_space<hbm>> -> memref<6400xi32, #tpu.memory_space<hbm>>
      tpu.enqueue_dma source(%dma_start3A_638 : memref<6400xi32, #tpu.memory_space<hbm>>) target(%arg5 : memref<6400xi32, #tpu.memory_space<vmem>>) target_semaphore(%run_scoped3A : memref<!tpu.dma_semaphore, #tpu.memory_space<semaphore_mem>>)
      %dma_wait3A_639 = tpu.memref_slice %arg2[%mul3A_2] : memref<204800xi32, #tpu.memory_space<hbm>> -> memref<6400xi32, #tpu.memory_space<hbm>>
      %dma_wait3A_640 = tpu.memref_slice %arg2[%mul3A_2] : memref<204800xi32, #tpu.memory_space<hbm>> -> memref<6400xi32, #tpu.memory_space<hbm>>
      tpu.wait_dma2 semaphore(%run_scoped3A : memref<!tpu.dma_semaphore, #tpu.memory_space<semaphore_mem>>) src(%dma_wait3A_640 : memref<6400xi32, #tpu.memory_space<hbm>>) dst(%arg5 : memref<6400xi32, #tpu.memory_space<vmem>>)
      tpu.yield
    }) : () -> ()
    %dma_start3A = arith.constant 0 : i32
    %dma_start3A_3 = tpu.memref_slice %arg5[%dma_start3A] : memref<6400xi32, #tpu.memory_space<vmem>> -> memref<200xi32, #tpu.memory_space<vmem>>
    %dma_start3A_4 = arith.constant 0 : i32
    %dma_start3A_5 = arith.constant 0 : i32
    %dma_start3A_6 = tpu.memref_slice %arg3[%dma_start3A_4, %dma_start3A_5] : memref<100000x128xf32, #tpu.memory_space<hbm>> -> memref<100000x128xf32, #tpu.memory_space<hbm>>
    tpu.enqueue_indirect_dma source(%dma_start3A_6 : memref<100000x128xf32, #tpu.memory_space<hbm>>) target(%arg6 : memref<200x128xf32, #tpu.memory_space<vmem>>) offsets(%dma_start3A_3 : memref<200xi32, #tpu.memory_space<vmem>>) semaphore(%arg10 : memref<!tpu.dma_semaphore, #tpu.memory_space<semaphore_mem>>)
    %dma_start3A_7 = arith.constant 200 : i32
    %dma_start3A_8 = tpu.memref_slice %arg5[%dma_start3A_7] : memref<6400xi32, #tpu.memory_space<vmem>> -> memref<200xi32, #tpu.memory_space<vmem>>
    %dma_start3A_9 = arith.constant 0 : i32
    %dma_start3A_10 = arith.constant 0 : i32
    %dma_start3A_11 = tpu.memref_slice %arg3[%dma_start3A_9, %dma_start3A_10] : memref<100000x128xf32, #tpu.memory_space<hbm>> -> memref<100000x128xf32, #tpu.memory_space<hbm>>
    tpu.enqueue_indirect_dma source(%dma_start3A_11 : memref<100000x128xf32, #tpu.memory_space<hbm>>) target(%arg7 : memref<200x128xf32, #tpu.memory_space<vmem>>) offsets(%dma_start3A_8 : memref<200xi32, #tpu.memory_space<vmem>>) semaphore(%arg11 : memref<!tpu.dma_semaphore, #tpu.memory_space<semaphore_mem>>)
    %dma_wait3A = arith.constant 0 : i32
    %dma_wait3A_12 = tpu.memref_slice %arg5[%dma_wait3A] : memref<6400xi32, #tpu.memory_space<vmem>> -> memref<200xi32, #tpu.memory_space<vmem>>
    %dma_wait3A_13 = arith.constant 0 : i32
    %dma_wait3A_14 = arith.constant 0 : i32
    %dma_wait3A_15 = tpu.memref_slice %arg3[%dma_wait3A_13, %dma_wait3A_14] : memref<100000x128xf32, #tpu.memory_space<hbm>> -> memref<100000x128xf32, #tpu.memory_space<hbm>>
    tpu.wait_indirect_dma semaphore(%arg10 : memref<!tpu.dma_semaphore, #tpu.memory_space<semaphore_mem>>) src(%dma_wait3A_15 : memref<100000x128xf32, #tpu.memory_space<hbm>>) dst(%arg6 : memref<200x128xf32, #tpu.memory_space<vmem>>)
    %add3A_16 = arith.constant 0 : i32
    %add3A_17 = arith.addi %mul3A_2, %add3A_16 : i32
    %dma_start3A_18 = arith.constant 0 : i32
    %dma_start3A_19 = tpu.memref_slice %arg4[%add3A_17, %dma_start3A_18] : memref<204800x128xf32, #tpu.memory_space<hbm>> -> memref<200x128xf32, #tpu.memory_space<hbm>>
    %dma_start3A_20 = arith.constant 0 : i32
    %dma_start3A_21 = tpu.memref_slice %arg4[%add3A_17, %dma_start3A_20] : memref<204800x128xf32, #tpu.memory_space<hbm>> -> memref<200x128xf32, #tpu.memory_space<hbm>>
    tpu.enqueue_dma source(%arg6 : memref<200x128xf32, #tpu.memory_space<vmem>>) target(%dma_start3A_21 : memref<200x128xf32, #tpu.memory_space<hbm>>) target_semaphore(%arg14 : memref<!tpu.dma_semaphore, #tpu.memory_space<semaphore_mem>>)
    %dma_start3A_22 = arith.constant 400 : i32
    %dma_start3A_23 = tpu.memref_slice %arg5[%dma_start3A_22] : memref<6400xi32, #tpu.memory_space<vmem>> -> memref<200xi32, #tpu.memory_space<vmem>>
    %dma_start3A_24 = arith.constant 0 : i32
    %dma_start3A_25 = arith.constant 0 : i32
    %dma_start3A_26 = tpu.memref_slice %arg3[%dma_start3A_24, %dma_start3A_25] : memref<100000x128xf32, #tpu.memory_space<hbm>> -> memref<100000x128xf32, #tpu.memory_space<hbm>>
    tpu.enqueue_indirect_dma source(%dma_start3A_26 : memref<100000x128xf32, #tpu.memory_space<hbm>>) target(%arg8 : memref<200x128xf32, #tpu.memory_space<vmem>>) offsets(%dma_start3A_23 : memref<200xi32, #tpu.memory_space<vmem>>) semaphore(%arg12 : memref<!tpu.dma_semaphore, #tpu.memory_space<semaphore_mem>>)
    %dma_wait3A_27 = arith.constant 200 : i32
    %dma_wait3A_28 = tpu.memref_slice %arg5[%dma_wait3A_27] : memref<6400xi32, #tpu.memory_space<vmem>> -> memref<200xi32, #tpu.memory_space<vmem>>
    %dma_wait3A_29 = arith.constant 0 : i32
    %dma_wait3A_30 = arith.constant 0 : i32
    %dma_wait3A_31 = tpu.memref_slice %arg3[%dma_wait3A_29, %dma_wait3A_30] : memref<100000x128xf32, #tpu.memory_space<hbm>> -> memref<100000x128xf32, #tpu.memory_space<hbm>>
    tpu.wait_indirect_dma semaphore(%arg11 : memref<!tpu.dma_semaphore, #tpu.memory_space<semaphore_mem>>) src(%dma_wait3A_31 : memref<100000x128xf32, #tpu.memory_space<hbm>>) dst(%arg7 : memref<200x128xf32, #tpu.memory_space<vmem>>)
    %add3A_32 = arith.constant 200 : i32
    %add3A_33 = arith.addi %mul3A_2, %add3A_32 : i32
    %dma_start3A_34 = arith.constant 0 : i32
    %dma_start3A_35 = tpu.memref_slice %arg4[%add3A_33, %dma_start3A_34] : memref<204800x128xf32, #tpu.memory_space<hbm>> -> memref<200x128xf32, #tpu.memory_space<hbm>>
    %dma_start3A_36 = arith.constant 0 : i32
    %dma_start3A_37 = tpu.memref_slice %arg4[%add3A_33, %dma_start3A_36] : memref<204800x128xf32, #tpu.memory_space<hbm>> -> memref<200x128xf32, #tpu.memory_space<hbm>>
    tpu.enqueue_dma source(%arg7 : memref<200x128xf32, #tpu.memory_space<vmem>>) target(%dma_start3A_37 : memref<200x128xf32, #tpu.memory_space<hbm>>) target_semaphore(%arg15 : memref<!tpu.dma_semaphore, #tpu.memory_space<semaphore_mem>>)
    %dma_start3A_38 = arith.constant 600 : i32
    %dma_start3A_39 = tpu.memref_slice %arg5[%dma_start3A_38] : memref<6400xi32, #tpu.memory_space<vmem>> -> memref<200xi32, #tpu.memory_space<vmem>>
    %dma_start3A_40 = arith.constant 0 : i32
    %dma_start3A_41 = arith.constant 0 : i32
    %dma_start3A_42 = tpu.memref_slice %arg3[%dma_start3A_40, %dma_start3A_41] : memref<100000x128xf32, #tpu.memory_space<hbm>> -> memref<100000x128xf32, #tpu.memory_space<hbm>>
    tpu.enqueue_indirect_dma source(%dma_start3A_42 : memref<100000x128xf32, #tpu.memory_space<hbm>>) target(%arg9 : memref<200x128xf32, #tpu.memory_space<vmem>>) offsets(%dma_start3A_39 : memref<200xi32, #tpu.memory_space<vmem>>) semaphore(%arg13 : memref<!tpu.dma_semaphore, #tpu.memory_space<semaphore_mem>>)
    %dma_wait3A_43 = arith.constant 400 : i32
    %dma_wait3A_44 = tpu.memref_slice %arg5[%dma_wait3A_43] : memref<6400xi32, #tpu.memory_space<vmem>> -> memref<200xi32, #tpu.memory_space<vmem>>
    %dma_wait3A_45 = arith.constant 0 : i32
    %dma_wait3A_46 = arith.constant 0 : i32
    %dma_wait3A_47 = tpu.memref_slice %arg3[%dma_wait3A_45, %dma_wait3A_46] : memref<100000x128xf32, #tpu.memory_space<hbm>> -> memref<100000x128xf32, #tpu.memory_space<hbm>>
    tpu.wait_indirect_dma semaphore(%arg12 : memref<!tpu.dma_semaphore, #tpu.memory_space<semaphore_mem>>) src(%dma_wait3A_47 : memref<100000x128xf32, #tpu.memory_space<hbm>>) dst(%arg8 : memref<200x128xf32, #tpu.memory_space<vmem>>)
    %add3A_48 = arith.constant 400 : i32
    %add3A_49 = arith.addi %mul3A_2, %add3A_48 : i32
    %dma_start3A_50 = arith.constant 0 : i32
    %dma_start3A_51 = tpu.memref_slice %arg4[%add3A_49, %dma_start3A_50] : memref<204800x128xf32, #tpu.memory_space<hbm>> -> memref<200x128xf32, #tpu.memory_space<hbm>>
    %dma_start3A_52 = arith.constant 0 : i32
    %dma_start3A_53 = tpu.memref_slice %arg4[%add3A_49, %dma_start3A_52] : memref<204800x128xf32, #tpu.memory_space<hbm>> -> memref<200x128xf32, #tpu.memory_space<hbm>>
    tpu.enqueue_dma source(%arg8 : memref<200x128xf32, #tpu.memory_space<vmem>>) target(%dma_start3A_53 : memref<200x128xf32, #tpu.memory_space<hbm>>) target_semaphore(%arg16 : memref<!tpu.dma_semaphore, #tpu.memory_space<semaphore_mem>>)
    %dma_wait3A_54 = arith.constant 0 : i32
    %dma_wait3A_55 = tpu.memref_slice %arg4[%add3A_17, %dma_wait3A_54] : memref<204800x128xf32, #tpu.memory_space<hbm>> -> memref<200x128xf32, #tpu.memory_space<hbm>>
    %dma_wait3A_56 = arith.constant 0 : i32
    %dma_wait3A_57 = tpu.memref_slice %arg4[%add3A_17, %dma_wait3A_56] : memref<204800x128xf32, #tpu.memory_space<hbm>> -> memref<200x128xf32, #tpu.memory_space<hbm>>
    tpu.wait_dma2 semaphore(%arg14 : memref<!tpu.dma_semaphore, #tpu.memory_space<semaphore_mem>>) src(%arg6 : memref<200x128xf32, #tpu.memory_space<vmem>>) dst(%dma_wait3A_57 : memref<200x128xf32, #tpu.memory_space<hbm>>)
    %dma_start3A_58 = arith.constant 800 : i32
    %dma_start3A_59 = tpu.memref_slice %arg5[%dma_start3A_58] : memref<6400xi32, #tpu.memory_space<vmem>> -> memref<200xi32, #tpu.memory_space<vmem>>
    %dma_start3A_60 = arith.constant 0 : i32
    %dma_start3A_61 = arith.constant 0 : i32
    %dma_start3A_62 = tpu.memref_slice %arg3[%dma_start3A_60, %dma_start3A_61] : memref<100000x128xf32, #tpu.memory_space<hbm>> -> memref<100000x128xf32, #tpu.memory_space<hbm>>
    tpu.enqueue_indirect_dma source(%dma_start3A_62 : memref<100000x128xf32, #tpu.memory_space<hbm>>) target(%arg6 : memref<200x128xf32, #tpu.memory_space<vmem>>) offsets(%dma_start3A_59 : memref<200xi32, #tpu.memory_space<vmem>>) semaphore(%arg10 : memref<!tpu.dma_semaphore, #tpu.memory_space<semaphore_mem>>)
    %dma_wait3A_63 = arith.constant 600 : i32
    %dma_wait3A_64 = tpu.memref_slice %arg5[%dma_wait3A_63] : memref<6400xi32, #tpu.memory_space<vmem>> -> memref<200xi32, #tpu.memory_space<vmem>>
    %dma_wait3A_65 = arith.constant 0 : i32
    %dma_wait3A_66 = arith.constant 0 : i32
    %dma_wait3A_67 = tpu.memref_slice %arg3[%dma_wait3A_65, %dma_wait3A_66] : memref<100000x128xf32, #tpu.memory_space<hbm>> -> memref<100000x128xf32, #tpu.memory_space<hbm>>
    tpu.wait_indirect_dma semaphore(%arg13 : memref<!tpu.dma_semaphore, #tpu.memory_space<semaphore_mem>>) src(%dma_wait3A_67 : memref<100000x128xf32, #tpu.memory_space<hbm>>) dst(%arg9 : memref<200x128xf32, #tpu.memory_space<vmem>>)
    %add3A_68 = arith.constant 600 : i32
    %add3A_69 = arith.addi %mul3A_2, %add3A_68 : i32
    %dma_start3A_70 = arith.constant 0 : i32
    %dma_start3A_71 = tpu.memref_slice %arg4[%add3A_69, %dma_start3A_70] : memref<204800x128xf32, #tpu.memory_space<hbm>> -> memref<200x128xf32, #tpu.memory_space<hbm>>
    %dma_start3A_72 = arith.constant 0 : i32
    %dma_start3A_73 = tpu.memref_slice %arg4[%add3A_69, %dma_start3A_72] : memref<204800x128xf32, #tpu.memory_space<hbm>> -> memref<200x128xf32, #tpu.memory_space<hbm>>
    tpu.enqueue_dma source(%arg9 : memref<200x128xf32, #tpu.memory_space<vmem>>) target(%dma_start3A_73 : memref<200x128xf32, #tpu.memory_space<hbm>>) target_semaphore(%arg17 : memref<!tpu.dma_semaphore, #tpu.memory_space<semaphore_mem>>)
    %dma_wait3A_74 = arith.constant 0 : i32
    %dma_wait3A_75 = tpu.memref_slice %arg4[%add3A_33, %dma_wait3A_74] : memref<204800x128xf32, #tpu.memory_space<hbm>> -> memref<200x128xf32, #tpu.memory_space<hbm>>
    %dma_wait3A_76 = arith.constant 0 : i32
    %dma_wait3A_77 = tpu.memref_slice %arg4[%add3A_33, %dma_wait3A_76] : memref<204800x128xf32, #tpu.memory_space<hbm>> -> memref<200x128xf32, #tpu.memory_space<hbm>>
    tpu.wait_dma2 semaphore(%arg15 : memref<!tpu.dma_semaphore, #tpu.memory_space<semaphore_mem>>) src(%arg7 : memref<200x128xf32, #tpu.memory_space<vmem>>) dst(%dma_wait3A_77 : memref<200x128xf32, #tpu.memory_space<hbm>>)
    %dma_start3A_78 = arith.constant 1000 : i32
    %dma_start3A_79 = tpu.memref_slice %arg5[%dma_start3A_78] : memref<6400xi32, #tpu.memory_space<vmem>> -> memref<200xi32, #tpu.memory_space<vmem>>
    %dma_start3A_80 = arith.constant 0 : i32
    %dma_start3A_81 = arith.constant 0 : i32
    %dma_start3A_82 = tpu.memref_slice %arg3[%dma_start3A_80, %dma_start3A_81] : memref<100000x128xf32, #tpu.memory_space<hbm>> -> memref<100000x128xf32, #tpu.memory_space<hbm>>
    tpu.enqueue_indirect_dma source(%dma_start3A_82 : memref<100000x128xf32, #tpu.memory_space<hbm>>) target(%arg7 : memref<200x128xf32, #tpu.memory_space<vmem>>) offsets(%dma_start3A_79 : memref<200xi32, #tpu.memory_space<vmem>>) semaphore(%arg11 : memref<!tpu.dma_semaphore, #tpu.memory_space<semaphore_mem>>)
    %dma_wait3A_83 = arith.constant 800 : i32
    %dma_wait3A_84 = tpu.memref_slice %arg5[%dma_wait3A_83] : memref<6400xi32, #tpu.memory_space<vmem>> -> memref<200xi32, #tpu.memory_space<vmem>>
    %dma_wait3A_85 = arith.constant 0 : i32
    %dma_wait3A_86 = arith.constant 0 : i32
    %dma_wait3A_87 = tpu.memref_slice %arg3[%dma_wait3A_85, %dma_wait3A_86] : memref<100000x128xf32, #tpu.memory_space<hbm>> -> memref<100000x128xf32, #tpu.memory_space<hbm>>
    tpu.wait_indirect_dma semaphore(%arg10 : memref<!tpu.dma_semaphore, #tpu.memory_space<semaphore_mem>>) src(%dma_wait3A_87 : memref<100000x128xf32, #tpu.memory_space<hbm>>) dst(%arg6 : memref<200x128xf32, #tpu.memory_space<vmem>>)
    %add3A_88 = arith.constant 800 : i32
    %add3A_89 = arith.addi %mul3A_2, %add3A_88 : i32
    %dma_start3A_90 = arith.constant 0 : i32
    %dma_start3A_91 = tpu.memref_slice %arg4[%add3A_89, %dma_start3A_90] : memref<204800x128xf32, #tpu.memory_space<hbm>> -> memref<200x128xf32, #tpu.memory_space<hbm>>
    %dma_start3A_92 = arith.constant 0 : i32
    %dma_start3A_93 = tpu.memref_slice %arg4[%add3A_89, %dma_start3A_92] : memref<204800x128xf32, #tpu.memory_space<hbm>> -> memref<200x128xf32, #tpu.memory_space<hbm>>
    tpu.enqueue_dma source(%arg6 : memref<200x128xf32, #tpu.memory_space<vmem>>) target(%dma_start3A_93 : memref<200x128xf32, #tpu.memory_space<hbm>>) target_semaphore(%arg14 : memref<!tpu.dma_semaphore, #tpu.memory_space<semaphore_mem>>)
    %dma_wait3A_94 = arith.constant 0 : i32
    %dma_wait3A_95 = tpu.memref_slice %arg4[%add3A_49, %dma_wait3A_94] : memref<204800x128xf32, #tpu.memory_space<hbm>> -> memref<200x128xf32, #tpu.memory_space<hbm>>
    %dma_wait3A_96 = arith.constant 0 : i32
    %dma_wait3A_97 = tpu.memref_slice %arg4[%add3A_49, %dma_wait3A_96] : memref<204800x128xf32, #tpu.memory_space<hbm>> -> memref<200x128xf32, #tpu.memory_space<hbm>>
    tpu.wait_dma2 semaphore(%arg16 : memref<!tpu.dma_semaphore, #tpu.memory_space<semaphore_mem>>) src(%arg8 : memref<200x128xf32, #tpu.memory_space<vmem>>) dst(%dma_wait3A_97 : memref<200x128xf32, #tpu.memory_space<hbm>>)
    %dma_start3A_98 = arith.constant 1200 : i32
    %dma_start3A_99 = tpu.memref_slice %arg5[%dma_start3A_98] : memref<6400xi32, #tpu.memory_space<vmem>> -> memref<200xi32, #tpu.memory_space<vmem>>
    %dma_start3A_100 = arith.constant 0 : i32
    %dma_start3A_101 = arith.constant 0 : i32
    %dma_start3A_102 = tpu.memref_slice %arg3[%dma_start3A_100, %dma_start3A_101] : memref<100000x128xf32, #tpu.memory_space<hbm>> -> memref<100000x128xf32, #tpu.memory_space<hbm>>
    tpu.enqueue_indirect_dma source(%dma_start3A_102 : memref<100000x128xf32, #tpu.memory_space<hbm>>) target(%arg8 : memref<200x128xf32, #tpu.memory_space<vmem>>) offsets(%dma_start3A_99 : memref<200xi32, #tpu.memory_space<vmem>>) semaphore(%arg12 : memref<!tpu.dma_semaphore, #tpu.memory_space<semaphore_mem>>)
    %dma_wait3A_103 = arith.constant 1000 : i32
    %dma_wait3A_104 = tpu.memref_slice %arg5[%dma_wait3A_103] : memref<6400xi32, #tpu.memory_space<vmem>> -> memref<200xi32, #tpu.memory_space<vmem>>
    %dma_wait3A_105 = arith.constant 0 : i32
    %dma_wait3A_106 = arith.constant 0 : i32
    %dma_wait3A_107 = tpu.memref_slice %arg3[%dma_wait3A_105, %dma_wait3A_106] : memref<100000x128xf32, #tpu.memory_space<hbm>> -> memref<100000x128xf32, #tpu.memory_space<hbm>>
    tpu.wait_indirect_dma semaphore(%arg11 : memref<!tpu.dma_semaphore, #tpu.memory_space<semaphore_mem>>) src(%dma_wait3A_107 : memref<100000x128xf32, #tpu.memory_space<hbm>>) dst(%arg7 : memref<200x128xf32, #tpu.memory_space<vmem>>)
    %add3A_108 = arith.constant 1000 : i32
    %add3A_109 = arith.addi %mul3A_2, %add3A_108 : i32
    %dma_start3A_110 = arith.constant 0 : i32
    %dma_start3A_111 = tpu.memref_slice %arg4[%add3A_109, %dma_start3A_110] : memref<204800x128xf32, #tpu.memory_space<hbm>> -> memref<200x128xf32, #tpu.memory_space<hbm>>
    %dma_start3A_112 = arith.constant 0 : i32
    %dma_start3A_113 = tpu.memref_slice %arg4[%add3A_109, %dma_start3A_112] : memref<204800x128xf32, #tpu.memory_space<hbm>> -> memref<200x128xf32, #tpu.memory_space<hbm>>
    tpu.enqueue_dma source(%arg7 : memref<200x128xf32, #tpu.memory_space<vmem>>) target(%dma_start3A_113 : memref<200x128xf32, #tpu.memory_space<hbm>>) target_semaphore(%arg15 : memref<!tpu.dma_semaphore, #tpu.memory_space<semaphore_mem>>)
    %dma_wait3A_114 = arith.constant 0 : i32
    %dma_wait3A_115 = tpu.memref_slice %arg4[%add3A_69, %dma_wait3A_114] : memref<204800x128xf32, #tpu.memory_space<hbm>> -> memref<200x128xf32, #tpu.memory_space<hbm>>
    %dma_wait3A_116 = arith.constant 0 : i32
    %dma_wait3A_117 = tpu.memref_slice %arg4[%add3A_69, %dma_wait3A_116] : memref<204800x128xf32, #tpu.memory_space<hbm>> -> memref<200x128xf32, #tpu.memory_space<hbm>>
    tpu.wait_dma2 semaphore(%arg17 : memref<!tpu.dma_semaphore, #tpu.memory_space<semaphore_mem>>) src(%arg9 : memref<200x128xf32, #tpu.memory_space<vmem>>) dst(%dma_wait3A_117 : memref<200x128xf32, #tpu.memory_space<hbm>>)
    %dma_start3A_118 = arith.constant 1400 : i32
    %dma_start3A_119 = tpu.memref_slice %arg5[%dma_start3A_118] : memref<6400xi32, #tpu.memory_space<vmem>> -> memref<200xi32, #tpu.memory_space<vmem>>
    %dma_start3A_120 = arith.constant 0 : i32
    %dma_start3A_121 = arith.constant 0 : i32
    %dma_start3A_122 = tpu.memref_slice %arg3[%dma_start3A_120, %dma_start3A_121] : memref<100000x128xf32, #tpu.memory_space<hbm>> -> memref<100000x128xf32, #tpu.memory_space<hbm>>
    tpu.enqueue_indirect_dma source(%dma_start3A_122 : memref<100000x128xf32, #tpu.memory_space<hbm>>) target(%arg9 : memref<200x128xf32, #tpu.memory_space<vmem>>) offsets(%dma_start3A_119 : memref<200xi32, #tpu.memory_space<vmem>>) semaphore(%arg13 : memref<!tpu.dma_semaphore, #tpu.memory_space<semaphore_mem>>)
    %dma_wait3A_123 = arith.constant 1200 : i32
    %dma_wait3A_124 = tpu.memref_slice %arg5[%dma_wait3A_123] : memref<6400xi32, #tpu.memory_space<vmem>> -> memref<200xi32, #tpu.memory_space<vmem>>
    %dma_wait3A_125 = arith.constant 0 : i32
    %dma_wait3A_126 = arith.constant 0 : i32
    %dma_wait3A_127 = tpu.memref_slice %arg3[%dma_wait3A_125, %dma_wait3A_126] : memref<100000x128xf32, #tpu.memory_space<hbm>> -> memref<100000x128xf32, #tpu.memory_space<hbm>>
    tpu.wait_indirect_dma semaphore(%arg12 : memref<!tpu.dma_semaphore, #tpu.memory_space<semaphore_mem>>) src(%dma_wait3A_127 : memref<100000x128xf32, #tpu.memory_space<hbm>>) dst(%arg8 : memref<200x128xf32, #tpu.memory_space<vmem>>)
    %add3A_128 = arith.constant 1200 : i32
    %add3A_129 = arith.addi %mul3A_2, %add3A_128 : i32
    %dma_start3A_130 = arith.constant 0 : i32
    %dma_start3A_131 = tpu.memref_slice %arg4[%add3A_129, %dma_start3A_130] : memref<204800x128xf32, #tpu.memory_space<hbm>> -> memref<200x128xf32, #tpu.memory_space<hbm>>
    %dma_start3A_132 = arith.constant 0 : i32
    %dma_start3A_133 = tpu.memref_slice %arg4[%add3A_129, %dma_start3A_132] : memref<204800x128xf32, #tpu.memory_space<hbm>> -> memref<200x128xf32, #tpu.memory_space<hbm>>
    tpu.enqueue_dma source(%arg8 : memref<200x128xf32, #tpu.memory_space<vmem>>) target(%dma_start3A_133 : memref<200x128xf32, #tpu.memory_space<hbm>>) target_semaphore(%arg16 : memref<!tpu.dma_semaphore, #tpu.memory_space<semaphore_mem>>)
    %dma_wait3A_134 = arith.constant 0 : i32
    %dma_wait3A_135 = tpu.memref_slice %arg4[%add3A_89, %dma_wait3A_134] : memref<204800x128xf32, #tpu.memory_space<hbm>> -> memref<200x128xf32, #tpu.memory_space<hbm>>
    %dma_wait3A_136 = arith.constant 0 : i32
    %dma_wait3A_137 = tpu.memref_slice %arg4[%add3A_89, %dma_wait3A_136] : memref<204800x128xf32, #tpu.memory_space<hbm>> -> memref<200x128xf32, #tpu.memory_space<hbm>>
    tpu.wait_dma2 semaphore(%arg14 : memref<!tpu.dma_semaphore, #tpu.memory_space<semaphore_mem>>) src(%arg6 : memref<200x128xf32, #tpu.memory_space<vmem>>) dst(%dma_wait3A_137 : memref<200x128xf32, #tpu.memory_space<hbm>>)
    %dma_start3A_138 = arith.constant 1600 : i32
    %dma_start3A_139 = tpu.memref_slice %arg5[%dma_start3A_138] : memref<6400xi32, #tpu.memory_space<vmem>> -> memref<200xi32, #tpu.memory_space<vmem>>
    %dma_start3A_140 = arith.constant 0 : i32
    %dma_start3A_141 = arith.constant 0 : i32
    %dma_start3A_142 = tpu.memref_slice %arg3[%dma_start3A_140, %dma_start3A_141] : memref<100000x128xf32, #tpu.memory_space<hbm>> -> memref<100000x128xf32, #tpu.memory_space<hbm>>
    tpu.enqueue_indirect_dma source(%dma_start3A_142 : memref<100000x128xf32, #tpu.memory_space<hbm>>) target(%arg6 : memref<200x128xf32, #tpu.memory_space<vmem>>) offsets(%dma_start3A_139 : memref<200xi32, #tpu.memory_space<vmem>>) semaphore(%arg10 : memref<!tpu.dma_semaphore, #tpu.memory_space<semaphore_mem>>)
    %dma_wait3A_143 = arith.constant 1400 : i32
    %dma_wait3A_144 = tpu.memref_slice %arg5[%dma_wait3A_143] : memref<6400xi32, #tpu.memory_space<vmem>> -> memref<200xi32, #tpu.memory_space<vmem>>
    %dma_wait3A_145 = arith.constant 0 : i32
    %dma_wait3A_146 = arith.constant 0 : i32
    %dma_wait3A_147 = tpu.memref_slice %arg3[%dma_wait3A_145, %dma_wait3A_146] : memref<100000x128xf32, #tpu.memory_space<hbm>> -> memref<100000x128xf32, #tpu.memory_space<hbm>>
    tpu.wait_indirect_dma semaphore(%arg13 : memref<!tpu.dma_semaphore, #tpu.memory_space<semaphore_mem>>) src(%dma_wait3A_147 : memref<100000x128xf32, #tpu.memory_space<hbm>>) dst(%arg9 : memref<200x128xf32, #tpu.memory_space<vmem>>)
    %add3A_148 = arith.constant 1400 : i32
    %add3A_149 = arith.addi %mul3A_2, %add3A_148 : i32
    %dma_start3A_150 = arith.constant 0 : i32
    %dma_start3A_151 = tpu.memref_slice %arg4[%add3A_149, %dma_start3A_150] : memref<204800x128xf32, #tpu.memory_space<hbm>> -> memref<200x128xf32, #tpu.memory_space<hbm>>
    %dma_start3A_152 = arith.constant 0 : i32
    %dma_start3A_153 = tpu.memref_slice %arg4[%add3A_149, %dma_start3A_152] : memref<204800x128xf32, #tpu.memory_space<hbm>> -> memref<200x128xf32, #tpu.memory_space<hbm>>
    tpu.enqueue_dma source(%arg9 : memref<200x128xf32, #tpu.memory_space<vmem>>) target(%dma_start3A_153 : memref<200x128xf32, #tpu.memory_space<hbm>>) target_semaphore(%arg17 : memref<!tpu.dma_semaphore, #tpu.memory_space<semaphore_mem>>)
    %dma_wait3A_154 = arith.constant 0 : i32
    %dma_wait3A_155 = tpu.memref_slice %arg4[%add3A_109, %dma_wait3A_154] : memref<204800x128xf32, #tpu.memory_space<hbm>> -> memref<200x128xf32, #tpu.memory_space<hbm>>
    %dma_wait3A_156 = arith.constant 0 : i32
    %dma_wait3A_157 = tpu.memref_slice %arg4[%add3A_109, %dma_wait3A_156] : memref<204800x128xf32, #tpu.memory_space<hbm>> -> memref<200x128xf32, #tpu.memory_space<hbm>>
    tpu.wait_dma2 semaphore(%arg15 : memref<!tpu.dma_semaphore, #tpu.memory_space<semaphore_mem>>) src(%arg7 : memref<200x128xf32, #tpu.memory_space<vmem>>) dst(%dma_wait3A_157 : memref<200x128xf32, #tpu.memory_space<hbm>>)
    %dma_start3A_158 = arith.constant 1800 : i32
    %dma_start3A_159 = tpu.memref_slice %arg5[%dma_start3A_158] : memref<6400xi32, #tpu.memory_space<vmem>> -> memref<200xi32, #tpu.memory_space<vmem>>
    %dma_start3A_160 = arith.constant 0 : i32
    %dma_start3A_161 = arith.constant 0 : i32
    %dma_start3A_162 = tpu.memref_slice %arg3[%dma_start3A_160, %dma_start3A_161] : memref<100000x128xf32, #tpu.memory_space<hbm>> -> memref<100000x128xf32, #tpu.memory_space<hbm>>
    tpu.enqueue_indirect_dma source(%dma_start3A_162 : memref<100000x128xf32, #tpu.memory_space<hbm>>) target(%arg7 : memref<200x128xf32, #tpu.memory_space<vmem>>) offsets(%dma_start3A_159 : memref<200xi32, #tpu.memory_space<vmem>>) semaphore(%arg11 : memref<!tpu.dma_semaphore, #tpu.memory_space<semaphore_mem>>)
    %dma_wait3A_163 = arith.constant 1600 : i32
    %dma_wait3A_164 = tpu.memref_slice %arg5[%dma_wait3A_163] : memref<6400xi32, #tpu.memory_space<vmem>> -> memref<200xi32, #tpu.memory_space<vmem>>
    %dma_wait3A_165 = arith.constant 0 : i32
    %dma_wait3A_166 = arith.constant 0 : i32
    %dma_wait3A_167 = tpu.memref_slice %arg3[%dma_wait3A_165, %dma_wait3A_166] : memref<100000x128xf32, #tpu.memory_space<hbm>> -> memref<100000x128xf32, #tpu.memory_space<hbm>>
    tpu.wait_indirect_dma semaphore(%arg10 : memref<!tpu.dma_semaphore, #tpu.memory_space<semaphore_mem>>) src(%dma_wait3A_167 : memref<100000x128xf32, #tpu.memory_space<hbm>>) dst(%arg6 : memref<200x128xf32, #tpu.memory_space<vmem>>)
    %add3A_168 = arith.constant 1600 : i32
    %add3A_169 = arith.addi %mul3A_2, %add3A_168 : i32
    %dma_start3A_170 = arith.constant 0 : i32
    %dma_start3A_171 = tpu.memref_slice %arg4[%add3A_169, %dma_start3A_170] : memref<204800x128xf32, #tpu.memory_space<hbm>> -> memref<200x128xf32, #tpu.memory_space<hbm>>
    %dma_start3A_172 = arith.constant 0 : i32
    %dma_start3A_173 = tpu.memref_slice %arg4[%add3A_169, %dma_start3A_172] : memref<204800x128xf32, #tpu.memory_space<hbm>> -> memref<200x128xf32, #tpu.memory_space<hbm>>
    tpu.enqueue_dma source(%arg6 : memref<200x128xf32, #tpu.memory_space<vmem>>) target(%dma_start3A_173 : memref<200x128xf32, #tpu.memory_space<hbm>>) target_semaphore(%arg14 : memref<!tpu.dma_semaphore, #tpu.memory_space<semaphore_mem>>)
    %dma_wait3A_174 = arith.constant 0 : i32
    %dma_wait3A_175 = tpu.memref_slice %arg4[%add3A_129, %dma_wait3A_174] : memref<204800x128xf32, #tpu.memory_space<hbm>> -> memref<200x128xf32, #tpu.memory_space<hbm>>
    %dma_wait3A_176 = arith.constant 0 : i32
    %dma_wait3A_177 = tpu.memref_slice %arg4[%add3A_129, %dma_wait3A_176] : memref<204800x128xf32, #tpu.memory_space<hbm>> -> memref<200x128xf32, #tpu.memory_space<hbm>>
    tpu.wait_dma2 semaphore(%arg16 : memref<!tpu.dma_semaphore, #tpu.memory_space<semaphore_mem>>) src(%arg8 : memref<200x128xf32, #tpu.memory_space<vmem>>) dst(%dma_wait3A_177 : memref<200x128xf32, #tpu.memory_space<hbm>>)
    %dma_start3A_178 = arith.constant 2000 : i32
    %dma_start3A_179 = tpu.memref_slice %arg5[%dma_start3A_178] : memref<6400xi32, #tpu.memory_space<vmem>> -> memref<200xi32, #tpu.memory_space<vmem>>
    %dma_start3A_180 = arith.constant 0 : i32
    %dma_start3A_181 = arith.constant 0 : i32
    %dma_start3A_182 = tpu.memref_slice %arg3[%dma_start3A_180, %dma_start3A_181] : memref<100000x128xf32, #tpu.memory_space<hbm>> -> memref<100000x128xf32, #tpu.memory_space<hbm>>
    tpu.enqueue_indirect_dma source(%dma_start3A_182 : memref<100000x128xf32, #tpu.memory_space<hbm>>) target(%arg8 : memref<200x128xf32, #tpu.memory_space<vmem>>) offsets(%dma_start3A_179 : memref<200xi32, #tpu.memory_space<vmem>>) semaphore(%arg12 : memref<!tpu.dma_semaphore, #tpu.memory_space<semaphore_mem>>)
    %dma_wait3A_183 = arith.constant 1800 : i32
    %dma_wait3A_184 = tpu.memref_slice %arg5[%dma_wait3A_183] : memref<6400xi32, #tpu.memory_space<vmem>> -> memref<200xi32, #tpu.memory_space<vmem>>
    %dma_wait3A_185 = arith.constant 0 : i32
    %dma_wait3A_186 = arith.constant 0 : i32
    %dma_wait3A_187 = tpu.memref_slice %arg3[%dma_wait3A_185, %dma_wait3A_186] : memref<100000x128xf32, #tpu.memory_space<hbm>> -> memref<100000x128xf32, #tpu.memory_space<hbm>>
    tpu.wait_indirect_dma semaphore(%arg11 : memref<!tpu.dma_semaphore, #tpu.memory_space<semaphore_mem>>) src(%dma_wait3A_187 : memref<100000x128xf32, #tpu.memory_space<hbm>>) dst(%arg7 : memref<200x128xf32, #tpu.memory_space<vmem>>)
    %add3A_188 = arith.constant 1800 : i32
    %add3A_189 = arith.addi %mul3A_2, %add3A_188 : i32
    %dma_start3A_190 = arith.constant 0 : i32
    %dma_start3A_191 = tpu.memref_slice %arg4[%add3A_189, %dma_start3A_190] : memref<204800x128xf32, #tpu.memory_space<hbm>> -> memref<200x128xf32, #tpu.memory_space<hbm>>
    %dma_start3A_192 = arith.constant 0 : i32
    %dma_start3A_193 = tpu.memref_slice %arg4[%add3A_189, %dma_start3A_192] : memref<204800x128xf32, #tpu.memory_space<hbm>> -> memref<200x128xf32, #tpu.memory_space<hbm>>
    tpu.enqueue_dma source(%arg7 : memref<200x128xf32, #tpu.memory_space<vmem>>) target(%dma_start3A_193 : memref<200x128xf32, #tpu.memory_space<hbm>>) target_semaphore(%arg15 : memref<!tpu.dma_semaphore, #tpu.memory_space<semaphore_mem>>)
    %dma_wait3A_194 = arith.constant 0 : i32
    %dma_wait3A_195 = tpu.memref_slice %arg4[%add3A_149, %dma_wait3A_194] : memref<204800x128xf32, #tpu.memory_space<hbm>> -> memref<200x128xf32, #tpu.memory_space<hbm>>
    %dma_wait3A_196 = arith.constant 0 : i32
    %dma_wait3A_197 = tpu.memref_slice %arg4[%add3A_149, %dma_wait3A_196] : memref<204800x128xf32, #tpu.memory_space<hbm>> -> memref<200x128xf32, #tpu.memory_space<hbm>>
    tpu.wait_dma2 semaphore(%arg17 : memref<!tpu.dma_semaphore, #tpu.memory_space<semaphore_mem>>) src(%arg9 : memref<200x128xf32, #tpu.memory_space<vmem>>) dst(%dma_wait3A_197 : memref<200x128xf32, #tpu.memory_space<hbm>>)
    %dma_start3A_198 = arith.constant 2200 : i32
    %dma_start3A_199 = tpu.memref_slice %arg5[%dma_start3A_198] : memref<6400xi32, #tpu.memory_space<vmem>> -> memref<200xi32, #tpu.memory_space<vmem>>
    %dma_start3A_200 = arith.constant 0 : i32
    %dma_start3A_201 = arith.constant 0 : i32
    %dma_start3A_202 = tpu.memref_slice %arg3[%dma_start3A_200, %dma_start3A_201] : memref<100000x128xf32, #tpu.memory_space<hbm>> -> memref<100000x128xf32, #tpu.memory_space<hbm>>
    tpu.enqueue_indirect_dma source(%dma_start3A_202 : memref<100000x128xf32, #tpu.memory_space<hbm>>) target(%arg9 : memref<200x128xf32, #tpu.memory_space<vmem>>) offsets(%dma_start3A_199 : memref<200xi32, #tpu.memory_space<vmem>>) semaphore(%arg13 : memref<!tpu.dma_semaphore, #tpu.memory_space<semaphore_mem>>)
    %dma_wait3A_203 = arith.constant 2000 : i32
    %dma_wait3A_204 = tpu.memref_slice %arg5[%dma_wait3A_203] : memref<6400xi32, #tpu.memory_space<vmem>> -> memref<200xi32, #tpu.memory_space<vmem>>
    %dma_wait3A_205 = arith.constant 0 : i32
    %dma_wait3A_206 = arith.constant 0 : i32
    %dma_wait3A_207 = tpu.memref_slice %arg3[%dma_wait3A_205, %dma_wait3A_206] : memref<100000x128xf32, #tpu.memory_space<hbm>> -> memref<100000x128xf32, #tpu.memory_space<hbm>>
    tpu.wait_indirect_dma semaphore(%arg12 : memref<!tpu.dma_semaphore, #tpu.memory_space<semaphore_mem>>) src(%dma_wait3A_207 : memref<100000x128xf32, #tpu.memory_space<hbm>>) dst(%arg8 : memref<200x128xf32, #tpu.memory_space<vmem>>)
    %add3A_208 = arith.constant 2000 : i32
    %add3A_209 = arith.addi %mul3A_2, %add3A_208 : i32
    %dma_start3A_210 = arith.constant 0 : i32
    %dma_start3A_211 = tpu.memref_slice %arg4[%add3A_209, %dma_start3A_210] : memref<204800x128xf32, #tpu.memory_space<hbm>> -> memref<200x128xf32, #tpu.memory_space<hbm>>
    %dma_start3A_212 = arith.constant 0 : i32
    %dma_start3A_213 = tpu.memref_slice %arg4[%add3A_209, %dma_start3A_212] : memref<204800x128xf32, #tpu.memory_space<hbm>> -> memref<200x128xf32, #tpu.memory_space<hbm>>
    tpu.enqueue_dma source(%arg8 : memref<200x128xf32, #tpu.memory_space<vmem>>) target(%dma_start3A_213 : memref<200x128xf32, #tpu.memory_space<hbm>>) target_semaphore(%arg16 : memref<!tpu.dma_semaphore, #tpu.memory_space<semaphore_mem>>)
    %dma_wait3A_214 = arith.constant 0 : i32
    %dma_wait3A_215 = tpu.memref_slice %arg4[%add3A_169, %dma_wait3A_214] : memref<204800x128xf32, #tpu.memory_space<hbm>> -> memref<200x128xf32, #tpu.memory_space<hbm>>
    %dma_wait3A_216 = arith.constant 0 : i32
    %dma_wait3A_217 = tpu.memref_slice %arg4[%add3A_169, %dma_wait3A_216] : memref<204800x128xf32, #tpu.memory_space<hbm>> -> memref<200x128xf32, #tpu.memory_space<hbm>>
    tpu.wait_dma2 semaphore(%arg14 : memref<!tpu.dma_semaphore, #tpu.memory_space<semaphore_mem>>) src(%arg6 : memref<200x128xf32, #tpu.memory_space<vmem>>) dst(%dma_wait3A_217 : memref<200x128xf32, #tpu.memory_space<hbm>>)
    %dma_start3A_218 = arith.constant 2400 : i32
    %dma_start3A_219 = tpu.memref_slice %arg5[%dma_start3A_218] : memref<6400xi32, #tpu.memory_space<vmem>> -> memref<200xi32, #tpu.memory_space<vmem>>
    %dma_start3A_220 = arith.constant 0 : i32
    %dma_start3A_221 = arith.constant 0 : i32
    %dma_start3A_222 = tpu.memref_slice %arg3[%dma_start3A_220, %dma_start3A_221] : memref<100000x128xf32, #tpu.memory_space<hbm>> -> memref<100000x128xf32, #tpu.memory_space<hbm>>
    tpu.enqueue_indirect_dma source(%dma_start3A_222 : memref<100000x128xf32, #tpu.memory_space<hbm>>) target(%arg6 : memref<200x128xf32, #tpu.memory_space<vmem>>) offsets(%dma_start3A_219 : memref<200xi32, #tpu.memory_space<vmem>>) semaphore(%arg10 : memref<!tpu.dma_semaphore, #tpu.memory_space<semaphore_mem>>)
    %dma_wait3A_223 = arith.constant 2200 : i32
    %dma_wait3A_224 = tpu.memref_slice %arg5[%dma_wait3A_223] : memref<6400xi32, #tpu.memory_space<vmem>> -> memref<200xi32, #tpu.memory_space<vmem>>
    %dma_wait3A_225 = arith.constant 0 : i32
    %dma_wait3A_226 = arith.constant 0 : i32
    %dma_wait3A_227 = tpu.memref_slice %arg3[%dma_wait3A_225, %dma_wait3A_226] : memref<100000x128xf32, #tpu.memory_space<hbm>> -> memref<100000x128xf32, #tpu.memory_space<hbm>>
    tpu.wait_indirect_dma semaphore(%arg13 : memref<!tpu.dma_semaphore, #tpu.memory_space<semaphore_mem>>) src(%dma_wait3A_227 : memref<100000x128xf32, #tpu.memory_space<hbm>>) dst(%arg9 : memref<200x128xf32, #tpu.memory_space<vmem>>)
    %add3A_228 = arith.constant 2200 : i32
    %add3A_229 = arith.addi %mul3A_2, %add3A_228 : i32
    %dma_start3A_230 = arith.constant 0 : i32
    %dma_start3A_231 = tpu.memref_slice %arg4[%add3A_229, %dma_start3A_230] : memref<204800x128xf32, #tpu.memory_space<hbm>> -> memref<200x128xf32, #tpu.memory_space<hbm>>
    %dma_start3A_232 = arith.constant 0 : i32
    %dma_start3A_233 = tpu.memref_slice %arg4[%add3A_229, %dma_start3A_232] : memref<204800x128xf32, #tpu.memory_space<hbm>> -> memref<200x128xf32, #tpu.memory_space<hbm>>
    tpu.enqueue_dma source(%arg9 : memref<200x128xf32, #tpu.memory_space<vmem>>) target(%dma_start3A_233 : memref<200x128xf32, #tpu.memory_space<hbm>>) target_semaphore(%arg17 : memref<!tpu.dma_semaphore, #tpu.memory_space<semaphore_mem>>)
    %dma_wait3A_234 = arith.constant 0 : i32
    %dma_wait3A_235 = tpu.memref_slice %arg4[%add3A_189, %dma_wait3A_234] : memref<204800x128xf32, #tpu.memory_space<hbm>> -> memref<200x128xf32, #tpu.memory_space<hbm>>
    %dma_wait3A_236 = arith.constant 0 : i32
    %dma_wait3A_237 = tpu.memref_slice %arg4[%add3A_189, %dma_wait3A_236] : memref<204800x128xf32, #tpu.memory_space<hbm>> -> memref<200x128xf32, #tpu.memory_space<hbm>>
    tpu.wait_dma2 semaphore(%arg15 : memref<!tpu.dma_semaphore, #tpu.memory_space<semaphore_mem>>) src(%arg7 : memref<200x128xf32, #tpu.memory_space<vmem>>) dst(%dma_wait3A_237 : memref<200x128xf32, #tpu.memory_space<hbm>>)
    %dma_start3A_238 = arith.constant 2600 : i32
    %dma_start3A_239 = tpu.memref_slice %arg5[%dma_start3A_238] : memref<6400xi32, #tpu.memory_space<vmem>> -> memref<200xi32, #tpu.memory_space<vmem>>
    %dma_start3A_240 = arith.constant 0 : i32
    %dma_start3A_241 = arith.constant 0 : i32
    %dma_start3A_242 = tpu.memref_slice %arg3[%dma_start3A_240, %dma_start3A_241] : memref<100000x128xf32, #tpu.memory_space<hbm>> -> memref<100000x128xf32, #tpu.memory_space<hbm>>
    tpu.enqueue_indirect_dma source(%dma_start3A_242 : memref<100000x128xf32, #tpu.memory_space<hbm>>) target(%arg7 : memref<200x128xf32, #tpu.memory_space<vmem>>) offsets(%dma_start3A_239 : memref<200xi32, #tpu.memory_space<vmem>>) semaphore(%arg11 : memref<!tpu.dma_semaphore, #tpu.memory_space<semaphore_mem>>)
    %dma_wait3A_243 = arith.constant 2400 : i32
    %dma_wait3A_244 = tpu.memref_slice %arg5[%dma_wait3A_243] : memref<6400xi32, #tpu.memory_space<vmem>> -> memref<200xi32, #tpu.memory_space<vmem>>
    %dma_wait3A_245 = arith.constant 0 : i32
    %dma_wait3A_246 = arith.constant 0 : i32
    %dma_wait3A_247 = tpu.memref_slice %arg3[%dma_wait3A_245, %dma_wait3A_246] : memref<100000x128xf32, #tpu.memory_space<hbm>> -> memref<100000x128xf32, #tpu.memory_space<hbm>>
    tpu.wait_indirect_dma semaphore(%arg10 : memref<!tpu.dma_semaphore, #tpu.memory_space<semaphore_mem>>) src(%dma_wait3A_247 : memref<100000x128xf32, #tpu.memory_space<hbm>>) dst(%arg6 : memref<200x128xf32, #tpu.memory_space<vmem>>)
    %add3A_248 = arith.constant 2400 : i32
    %add3A_249 = arith.addi %mul3A_2, %add3A_248 : i32
    %dma_start3A_250 = arith.constant 0 : i32
    %dma_start3A_251 = tpu.memref_slice %arg4[%add3A_249, %dma_start3A_250] : memref<204800x128xf32, #tpu.memory_space<hbm>> -> memref<200x128xf32, #tpu.memory_space<hbm>>
    %dma_start3A_252 = arith.constant 0 : i32
    %dma_start3A_253 = tpu.memref_slice %arg4[%add3A_249, %dma_start3A_252] : memref<204800x128xf32, #tpu.memory_space<hbm>> -> memref<200x128xf32, #tpu.memory_space<hbm>>
    tpu.enqueue_dma source(%arg6 : memref<200x128xf32, #tpu.memory_space<vmem>>) target(%dma_start3A_253 : memref<200x128xf32, #tpu.memory_space<hbm>>) target_semaphore(%arg14 : memref<!tpu.dma_semaphore, #tpu.memory_space<semaphore_mem>>)
    %dma_wait3A_254 = arith.constant 0 : i32
    %dma_wait3A_255 = tpu.memref_slice %arg4[%add3A_209, %dma_wait3A_254] : memref<204800x128xf32, #tpu.memory_space<hbm>> -> memref<200x128xf32, #tpu.memory_space<hbm>>
    %dma_wait3A_256 = arith.constant 0 : i32
    %dma_wait3A_257 = tpu.memref_slice %arg4[%add3A_209, %dma_wait3A_256] : memref<204800x128xf32, #tpu.memory_space<hbm>> -> memref<200x128xf32, #tpu.memory_space<hbm>>
    tpu.wait_dma2 semaphore(%arg16 : memref<!tpu.dma_semaphore, #tpu.memory_space<semaphore_mem>>) src(%arg8 : memref<200x128xf32, #tpu.memory_space<vmem>>) dst(%dma_wait3A_257 : memref<200x128xf32, #tpu.memory_space<hbm>>)
    %dma_start3A_258 = arith.constant 2800 : i32
    %dma_start3A_259 = tpu.memref_slice %arg5[%dma_start3A_258] : memref<6400xi32, #tpu.memory_space<vmem>> -> memref<200xi32, #tpu.memory_space<vmem>>
    %dma_start3A_260 = arith.constant 0 : i32
    %dma_start3A_261 = arith.constant 0 : i32
    %dma_start3A_262 = tpu.memref_slice %arg3[%dma_start3A_260, %dma_start3A_261] : memref<100000x128xf32, #tpu.memory_space<hbm>> -> memref<100000x128xf32, #tpu.memory_space<hbm>>
    tpu.enqueue_indirect_dma source(%dma_start3A_262 : memref<100000x128xf32, #tpu.memory_space<hbm>>) target(%arg8 : memref<200x128xf32, #tpu.memory_space<vmem>>) offsets(%dma_start3A_259 : memref<200xi32, #tpu.memory_space<vmem>>) semaphore(%arg12 : memref<!tpu.dma_semaphore, #tpu.memory_space<semaphore_mem>>)
    %dma_wait3A_263 = arith.constant 2600 : i32
    %dma_wait3A_264 = tpu.memref_slice %arg5[%dma_wait3A_263] : memref<6400xi32, #tpu.memory_space<vmem>> -> memref<200xi32, #tpu.memory_space<vmem>>
    %dma_wait3A_265 = arith.constant 0 : i32
    %dma_wait3A_266 = arith.constant 0 : i32
    %dma_wait3A_267 = tpu.memref_slice %arg3[%dma_wait3A_265, %dma_wait3A_266] : memref<100000x128xf32, #tpu.memory_space<hbm>> -> memref<100000x128xf32, #tpu.memory_space<hbm>>
    tpu.wait_indirect_dma semaphore(%arg11 : memref<!tpu.dma_semaphore, #tpu.memory_space<semaphore_mem>>) src(%dma_wait3A_267 : memref<100000x128xf32, #tpu.memory_space<hbm>>) dst(%arg7 : memref<200x128xf32, #tpu.memory_space<vmem>>)
    %add3A_268 = arith.constant 2600 : i32
    %add3A_269 = arith.addi %mul3A_2, %add3A_268 : i32
    %dma_start3A_270 = arith.constant 0 : i32
    %dma_start3A_271 = tpu.memref_slice %arg4[%add3A_269, %dma_start3A_270] : memref<204800x128xf32, #tpu.memory_space<hbm>> -> memref<200x128xf32, #tpu.memory_space<hbm>>
    %dma_start3A_272 = arith.constant 0 : i32
    %dma_start3A_273 = tpu.memref_slice %arg4[%add3A_269, %dma_start3A_272] : memref<204800x128xf32, #tpu.memory_space<hbm>> -> memref<200x128xf32, #tpu.memory_space<hbm>>
    tpu.enqueue_dma source(%arg7 : memref<200x128xf32, #tpu.memory_space<vmem>>) target(%dma_start3A_273 : memref<200x128xf32, #tpu.memory_space<hbm>>) target_semaphore(%arg15 : memref<!tpu.dma_semaphore, #tpu.memory_space<semaphore_mem>>)
    %dma_wait3A_274 = arith.constant 0 : i32
    %dma_wait3A_275 = tpu.memref_slice %arg4[%add3A_229, %dma_wait3A_274] : memref<204800x128xf32, #tpu.memory_space<hbm>> -> memref<200x128xf32, #tpu.memory_space<hbm>>
    %dma_wait3A_276 = arith.constant 0 : i32
    %dma_wait3A_277 = tpu.memref_slice %arg4[%add3A_229, %dma_wait3A_276] : memref<204800x128xf32, #tpu.memory_space<hbm>> -> memref<200x128xf32, #tpu.memory_space<hbm>>
    tpu.wait_dma2 semaphore(%arg17 : memref<!tpu.dma_semaphore, #tpu.memory_space<semaphore_mem>>) src(%arg9 : memref<200x128xf32, #tpu.memory_space<vmem>>) dst(%dma_wait3A_277 : memref<200x128xf32, #tpu.memory_space<hbm>>)
    %dma_start3A_278 = arith.constant 3000 : i32
    %dma_start3A_279 = tpu.memref_slice %arg5[%dma_start3A_278] : memref<6400xi32, #tpu.memory_space<vmem>> -> memref<200xi32, #tpu.memory_space<vmem>>
    %dma_start3A_280 = arith.constant 0 : i32
    %dma_start3A_281 = arith.constant 0 : i32
    %dma_start3A_282 = tpu.memref_slice %arg3[%dma_start3A_280, %dma_start3A_281] : memref<100000x128xf32, #tpu.memory_space<hbm>> -> memref<100000x128xf32, #tpu.memory_space<hbm>>
    tpu.enqueue_indirect_dma source(%dma_start3A_282 : memref<100000x128xf32, #tpu.memory_space<hbm>>) target(%arg9 : memref<200x128xf32, #tpu.memory_space<vmem>>) offsets(%dma_start3A_279 : memref<200xi32, #tpu.memory_space<vmem>>) semaphore(%arg13 : memref<!tpu.dma_semaphore, #tpu.memory_space<semaphore_mem>>)
    %dma_wait3A_283 = arith.constant 2800 : i32
    %dma_wait3A_284 = tpu.memref_slice %arg5[%dma_wait3A_283] : memref<6400xi32, #tpu.memory_space<vmem>> -> memref<200xi32, #tpu.memory_space<vmem>>
    %dma_wait3A_285 = arith.constant 0 : i32
    %dma_wait3A_286 = arith.constant 0 : i32
    %dma_wait3A_287 = tpu.memref_slice %arg3[%dma_wait3A_285, %dma_wait3A_286] : memref<100000x128xf32, #tpu.memory_space<hbm>> -> memref<100000x128xf32, #tpu.memory_space<hbm>>
    tpu.wait_indirect_dma semaphore(%arg12 : memref<!tpu.dma_semaphore, #tpu.memory_space<semaphore_mem>>) src(%dma_wait3A_287 : memref<100000x128xf32, #tpu.memory_space<hbm>>) dst(%arg8 : memref<200x128xf32, #tpu.memory_space<vmem>>)
    %add3A_288 = arith.constant 2800 : i32
    %add3A_289 = arith.addi %mul3A_2, %add3A_288 : i32
    %dma_start3A_290 = arith.constant 0 : i32
    %dma_start3A_291 = tpu.memref_slice %arg4[%add3A_289, %dma_start3A_290] : memref<204800x128xf32, #tpu.memory_space<hbm>> -> memref<200x128xf32, #tpu.memory_space<hbm>>
    %dma_start3A_292 = arith.constant 0 : i32
    %dma_start3A_293 = tpu.memref_slice %arg4[%add3A_289, %dma_start3A_292] : memref<204800x128xf32, #tpu.memory_space<hbm>> -> memref<200x128xf32, #tpu.memory_space<hbm>>
    tpu.enqueue_dma source(%arg8 : memref<200x128xf32, #tpu.memory_space<vmem>>) target(%dma_start3A_293 : memref<200x128xf32, #tpu.memory_space<hbm>>) target_semaphore(%arg16 : memref<!tpu.dma_semaphore, #tpu.memory_space<semaphore_mem>>)
    %dma_wait3A_294 = arith.constant 0 : i32
    %dma_wait3A_295 = tpu.memref_slice %arg4[%add3A_249, %dma_wait3A_294] : memref<204800x128xf32, #tpu.memory_space<hbm>> -> memref<200x128xf32, #tpu.memory_space<hbm>>
    %dma_wait3A_296 = arith.constant 0 : i32
    %dma_wait3A_297 = tpu.memref_slice %arg4[%add3A_249, %dma_wait3A_296] : memref<204800x128xf32, #tpu.memory_space<hbm>> -> memref<200x128xf32, #tpu.memory_space<hbm>>
    tpu.wait_dma2 semaphore(%arg14 : memref<!tpu.dma_semaphore, #tpu.memory_space<semaphore_mem>>) src(%arg6 : memref<200x128xf32, #tpu.memory_space<vmem>>) dst(%dma_wait3A_297 : memref<200x128xf32, #tpu.memory_space<hbm>>)
    %dma_start3A_298 = arith.constant 3200 : i32
    %dma_start3A_299 = tpu.memref_slice %arg5[%dma_start3A_298] : memref<6400xi32, #tpu.memory_space<vmem>> -> memref<200xi32, #tpu.memory_space<vmem>>
    %dma_start3A_300 = arith.constant 0 : i32
    %dma_start3A_301 = arith.constant 0 : i32
    %dma_start3A_302 = tpu.memref_slice %arg3[%dma_start3A_300, %dma_start3A_301] : memref<100000x128xf32, #tpu.memory_space<hbm>> -> memref<100000x128xf32, #tpu.memory_space<hbm>>
    tpu.enqueue_indirect_dma source(%dma_start3A_302 : memref<100000x128xf32, #tpu.memory_space<hbm>>) target(%arg6 : memref<200x128xf32, #tpu.memory_space<vmem>>) offsets(%dma_start3A_299 : memref<200xi32, #tpu.memory_space<vmem>>) semaphore(%arg10 : memref<!tpu.dma_semaphore, #tpu.memory_space<semaphore_mem>>)
    %dma_wait3A_303 = arith.constant 3000 : i32
    %dma_wait3A_304 = tpu.memref_slice %arg5[%dma_wait3A_303] : memref<6400xi32, #tpu.memory_space<vmem>> -> memref<200xi32, #tpu.memory_space<vmem>>
    %dma_wait3A_305 = arith.constant 0 : i32
    %dma_wait3A_306 = arith.constant 0 : i32
    %dma_wait3A_307 = tpu.memref_slice %arg3[%dma_wait3A_305, %dma_wait3A_306] : memref<100000x128xf32, #tpu.memory_space<hbm>> -> memref<100000x128xf32, #tpu.memory_space<hbm>>
    tpu.wait_indirect_dma semaphore(%arg13 : memref<!tpu.dma_semaphore, #tpu.memory_space<semaphore_mem>>) src(%dma_wait3A_307 : memref<100000x128xf32, #tpu.memory_space<hbm>>) dst(%arg9 : memref<200x128xf32, #tpu.memory_space<vmem>>)
    %add3A_308 = arith.constant 3000 : i32
    %add3A_309 = arith.addi %mul3A_2, %add3A_308 : i32
    %dma_start3A_310 = arith.constant 0 : i32
    %dma_start3A_311 = tpu.memref_slice %arg4[%add3A_309, %dma_start3A_310] : memref<204800x128xf32, #tpu.memory_space<hbm>> -> memref<200x128xf32, #tpu.memory_space<hbm>>
    %dma_start3A_312 = arith.constant 0 : i32
    %dma_start3A_313 = tpu.memref_slice %arg4[%add3A_309, %dma_start3A_312] : memref<204800x128xf32, #tpu.memory_space<hbm>> -> memref<200x128xf32, #tpu.memory_space<hbm>>
    tpu.enqueue_dma source(%arg9 : memref<200x128xf32, #tpu.memory_space<vmem>>) target(%dma_start3A_313 : memref<200x128xf32, #tpu.memory_space<hbm>>) target_semaphore(%arg17 : memref<!tpu.dma_semaphore, #tpu.memory_space<semaphore_mem>>)
    %dma_wait3A_314 = arith.constant 0 : i32
    %dma_wait3A_315 = tpu.memref_slice %arg4[%add3A_269, %dma_wait3A_314] : memref<204800x128xf32, #tpu.memory_space<hbm>> -> memref<200x128xf32, #tpu.memory_space<hbm>>
    %dma_wait3A_316 = arith.constant 0 : i32
    %dma_wait3A_317 = tpu.memref_slice %arg4[%add3A_269, %dma_wait3A_316] : memref<204800x128xf32, #tpu.memory_space<hbm>> -> memref<200x128xf32, #tpu.memory_space<hbm>>
    tpu.wait_dma2 semaphore(%arg15 : memref<!tpu.dma_semaphore, #tpu.memory_space<semaphore_mem>>) src(%arg7 : memref<200x128xf32, #tpu.memory_space<vmem>>) dst(%dma_wait3A_317 : memref<200x128xf32, #tpu.memory_space<hbm>>)
    %dma_start3A_318 = arith.constant 3400 : i32
    %dma_start3A_319 = tpu.memref_slice %arg5[%dma_start3A_318] : memref<6400xi32, #tpu.memory_space<vmem>> -> memref<200xi32, #tpu.memory_space<vmem>>
    %dma_start3A_320 = arith.constant 0 : i32
    %dma_start3A_321 = arith.constant 0 : i32
    %dma_start3A_322 = tpu.memref_slice %arg3[%dma_start3A_320, %dma_start3A_321] : memref<100000x128xf32, #tpu.memory_space<hbm>> -> memref<100000x128xf32, #tpu.memory_space<hbm>>
    tpu.enqueue_indirect_dma source(%dma_start3A_322 : memref<100000x128xf32, #tpu.memory_space<hbm>>) target(%arg7 : memref<200x128xf32, #tpu.memory_space<vmem>>) offsets(%dma_start3A_319 : memref<200xi32, #tpu.memory_space<vmem>>) semaphore(%arg11 : memref<!tpu.dma_semaphore, #tpu.memory_space<semaphore_mem>>)
    %dma_wait3A_323 = arith.constant 3200 : i32
    %dma_wait3A_324 = tpu.memref_slice %arg5[%dma_wait3A_323] : memref<6400xi32, #tpu.memory_space<vmem>> -> memref<200xi32, #tpu.memory_space<vmem>>
    %dma_wait3A_325 = arith.constant 0 : i32
    %dma_wait3A_326 = arith.constant 0 : i32
    %dma_wait3A_327 = tpu.memref_slice %arg3[%dma_wait3A_325, %dma_wait3A_326] : memref<100000x128xf32, #tpu.memory_space<hbm>> -> memref<100000x128xf32, #tpu.memory_space<hbm>>
    tpu.wait_indirect_dma semaphore(%arg10 : memref<!tpu.dma_semaphore, #tpu.memory_space<semaphore_mem>>) src(%dma_wait3A_327 : memref<100000x128xf32, #tpu.memory_space<hbm>>) dst(%arg6 : memref<200x128xf32, #tpu.memory_space<vmem>>)
    %add3A_328 = arith.constant 3200 : i32
    %add3A_329 = arith.addi %mul3A_2, %add3A_328 : i32
    %dma_start3A_330 = arith.constant 0 : i32
    %dma_start3A_331 = tpu.memref_slice %arg4[%add3A_329, %dma_start3A_330] : memref<204800x128xf32, #tpu.memory_space<hbm>> -> memref<200x128xf32, #tpu.memory_space<hbm>>
    %dma_start3A_332 = arith.constant 0 : i32
    %dma_start3A_333 = tpu.memref_slice %arg4[%add3A_329, %dma_start3A_332] : memref<204800x128xf32, #tpu.memory_space<hbm>> -> memref<200x128xf32, #tpu.memory_space<hbm>>
    tpu.enqueue_dma source(%arg6 : memref<200x128xf32, #tpu.memory_space<vmem>>) target(%dma_start3A_333 : memref<200x128xf32, #tpu.memory_space<hbm>>) target_semaphore(%arg14 : memref<!tpu.dma_semaphore, #tpu.memory_space<semaphore_mem>>)
    %dma_wait3A_334 = arith.constant 0 : i32
    %dma_wait3A_335 = tpu.memref_slice %arg4[%add3A_289, %dma_wait3A_334] : memref<204800x128xf32, #tpu.memory_space<hbm>> -> memref<200x128xf32, #tpu.memory_space<hbm>>
    %dma_wait3A_336 = arith.constant 0 : i32
    %dma_wait3A_337 = tpu.memref_slice %arg4[%add3A_289, %dma_wait3A_336] : memref<204800x128xf32, #tpu.memory_space<hbm>> -> memref<200x128xf32, #tpu.memory_space<hbm>>
    tpu.wait_dma2 semaphore(%arg16 : memref<!tpu.dma_semaphore, #tpu.memory_space<semaphore_mem>>) src(%arg8 : memref<200x128xf32, #tpu.memory_space<vmem>>) dst(%dma_wait3A_337 : memref<200x128xf32, #tpu.memory_space<hbm>>)
    %dma_start3A_338 = arith.constant 3600 : i32
    %dma_start3A_339 = tpu.memref_slice %arg5[%dma_start3A_338] : memref<6400xi32, #tpu.memory_space<vmem>> -> memref<200xi32, #tpu.memory_space<vmem>>
    %dma_start3A_340 = arith.constant 0 : i32
    %dma_start3A_341 = arith.constant 0 : i32
    %dma_start3A_342 = tpu.memref_slice %arg3[%dma_start3A_340, %dma_start3A_341] : memref<100000x128xf32, #tpu.memory_space<hbm>> -> memref<100000x128xf32, #tpu.memory_space<hbm>>
    tpu.enqueue_indirect_dma source(%dma_start3A_342 : memref<100000x128xf32, #tpu.memory_space<hbm>>) target(%arg8 : memref<200x128xf32, #tpu.memory_space<vmem>>) offsets(%dma_start3A_339 : memref<200xi32, #tpu.memory_space<vmem>>) semaphore(%arg12 : memref<!tpu.dma_semaphore, #tpu.memory_space<semaphore_mem>>)
    %dma_wait3A_343 = arith.constant 3400 : i32
    %dma_wait3A_344 = tpu.memref_slice %arg5[%dma_wait3A_343] : memref<6400xi32, #tpu.memory_space<vmem>> -> memref<200xi32, #tpu.memory_space<vmem>>
    %dma_wait3A_345 = arith.constant 0 : i32
    %dma_wait3A_346 = arith.constant 0 : i32
    %dma_wait3A_347 = tpu.memref_slice %arg3[%dma_wait3A_345, %dma_wait3A_346] : memref<100000x128xf32, #tpu.memory_space<hbm>> -> memref<100000x128xf32, #tpu.memory_space<hbm>>
    tpu.wait_indirect_dma semaphore(%arg11 : memref<!tpu.dma_semaphore, #tpu.memory_space<semaphore_mem>>) src(%dma_wait3A_347 : memref<100000x128xf32, #tpu.memory_space<hbm>>) dst(%arg7 : memref<200x128xf32, #tpu.memory_space<vmem>>)
    %add3A_348 = arith.constant 3400 : i32
    %add3A_349 = arith.addi %mul3A_2, %add3A_348 : i32
    %dma_start3A_350 = arith.constant 0 : i32
    %dma_start3A_351 = tpu.memref_slice %arg4[%add3A_349, %dma_start3A_350] : memref<204800x128xf32, #tpu.memory_space<hbm>> -> memref<200x128xf32, #tpu.memory_space<hbm>>
    %dma_start3A_352 = arith.constant 0 : i32
    %dma_start3A_353 = tpu.memref_slice %arg4[%add3A_349, %dma_start3A_352] : memref<204800x128xf32, #tpu.memory_space<hbm>> -> memref<200x128xf32, #tpu.memory_space<hbm>>
    tpu.enqueue_dma source(%arg7 : memref<200x128xf32, #tpu.memory_space<vmem>>) target(%dma_start3A_353 : memref<200x128xf32, #tpu.memory_space<hbm>>) target_semaphore(%arg15 : memref<!tpu.dma_semaphore, #tpu.memory_space<semaphore_mem>>)
    %dma_wait3A_354 = arith.constant 0 : i32
    %dma_wait3A_355 = tpu.memref_slice %arg4[%add3A_309, %dma_wait3A_354] : memref<204800x128xf32, #tpu.memory_space<hbm>> -> memref<200x128xf32, #tpu.memory_space<hbm>>
    %dma_wait3A_356 = arith.constant 0 : i32
    %dma_wait3A_357 = tpu.memref_slice %arg4[%add3A_309, %dma_wait3A_356] : memref<204800x128xf32, #tpu.memory_space<hbm>> -> memref<200x128xf32, #tpu.memory_space<hbm>>
    tpu.wait_dma2 semaphore(%arg17 : memref<!tpu.dma_semaphore, #tpu.memory_space<semaphore_mem>>) src(%arg9 : memref<200x128xf32, #tpu.memory_space<vmem>>) dst(%dma_wait3A_357 : memref<200x128xf32, #tpu.memory_space<hbm>>)
    %dma_start3A_358 = arith.constant 3800 : i32
    %dma_start3A_359 = tpu.memref_slice %arg5[%dma_start3A_358] : memref<6400xi32, #tpu.memory_space<vmem>> -> memref<200xi32, #tpu.memory_space<vmem>>
    %dma_start3A_360 = arith.constant 0 : i32
    %dma_start3A_361 = arith.constant 0 : i32
    %dma_start3A_362 = tpu.memref_slice %arg3[%dma_start3A_360, %dma_start3A_361] : memref<100000x128xf32, #tpu.memory_space<hbm>> -> memref<100000x128xf32, #tpu.memory_space<hbm>>
    tpu.enqueue_indirect_dma source(%dma_start3A_362 : memref<100000x128xf32, #tpu.memory_space<hbm>>) target(%arg9 : memref<200x128xf32, #tpu.memory_space<vmem>>) offsets(%dma_start3A_359 : memref<200xi32, #tpu.memory_space<vmem>>) semaphore(%arg13 : memref<!tpu.dma_semaphore, #tpu.memory_space<semaphore_mem>>)
    %dma_wait3A_363 = arith.constant 3600 : i32
    %dma_wait3A_364 = tpu.memref_slice %arg5[%dma_wait3A_363] : memref<6400xi32, #tpu.memory_space<vmem>> -> memref<200xi32, #tpu.memory_space<vmem>>
    %dma_wait3A_365 = arith.constant 0 : i32
    %dma_wait3A_366 = arith.constant 0 : i32
    %dma_wait3A_367 = tpu.memref_slice %arg3[%dma_wait3A_365, %dma_wait3A_366] : memref<100000x128xf32, #tpu.memory_space<hbm>> -> memref<100000x128xf32, #tpu.memory_space<hbm>>
    tpu.wait_indirect_dma semaphore(%arg12 : memref<!tpu.dma_semaphore, #tpu.memory_space<semaphore_mem>>) src(%dma_wait3A_367 : memref<100000x128xf32, #tpu.memory_space<hbm>>) dst(%arg8 : memref<200x128xf32, #tpu.memory_space<vmem>>)
    %add3A_368 = arith.constant 3600 : i32
    %add3A_369 = arith.addi %mul3A_2, %add3A_368 : i32
    %dma_start3A_370 = arith.constant 0 : i32
    %dma_start3A_371 = tpu.memref_slice %arg4[%add3A_369, %dma_start3A_370] : memref<204800x128xf32, #tpu.memory_space<hbm>> -> memref<200x128xf32, #tpu.memory_space<hbm>>
    %dma_start3A_372 = arith.constant 0 : i32
    %dma_start3A_373 = tpu.memref_slice %arg4[%add3A_369, %dma_start3A_372] : memref<204800x128xf32, #tpu.memory_space<hbm>> -> memref<200x128xf32, #tpu.memory_space<hbm>>
    tpu.enqueue_dma source(%arg8 : memref<200x128xf32, #tpu.memory_space<vmem>>) target(%dma_start3A_373 : memref<200x128xf32, #tpu.memory_space<hbm>>) target_semaphore(%arg16 : memref<!tpu.dma_semaphore, #tpu.memory_space<semaphore_mem>>)
    %dma_wait3A_374 = arith.constant 0 : i32
    %dma_wait3A_375 = tpu.memref_slice %arg4[%add3A_329, %dma_wait3A_374] : memref<204800x128xf32, #tpu.memory_space<hbm>> -> memref<200x128xf32, #tpu.memory_space<hbm>>
    %dma_wait3A_376 = arith.constant 0 : i32
    %dma_wait3A_377 = tpu.memref_slice %arg4[%add3A_329, %dma_wait3A_376] : memref<204800x128xf32, #tpu.memory_space<hbm>> -> memref<200x128xf32, #tpu.memory_space<hbm>>
    tpu.wait_dma2 semaphore(%arg14 : memref<!tpu.dma_semaphore, #tpu.memory_space<semaphore_mem>>) src(%arg6 : memref<200x128xf32, #tpu.memory_space<vmem>>) dst(%dma_wait3A_377 : memref<200x128xf32, #tpu.memory_space<hbm>>)
    %dma_start3A_378 = arith.constant 4000 : i32
    %dma_start3A_379 = tpu.memref_slice %arg5[%dma_start3A_378] : memref<6400xi32, #tpu.memory_space<vmem>> -> memref<200xi32, #tpu.memory_space<vmem>>
    %dma_start3A_380 = arith.constant 0 : i32
    %dma_start3A_381 = arith.constant 0 : i32
    %dma_start3A_382 = tpu.memref_slice %arg3[%dma_start3A_380, %dma_start3A_381] : memref<100000x128xf32, #tpu.memory_space<hbm>> -> memref<100000x128xf32, #tpu.memory_space<hbm>>
    tpu.enqueue_indirect_dma source(%dma_start3A_382 : memref<100000x128xf32, #tpu.memory_space<hbm>>) target(%arg6 : memref<200x128xf32, #tpu.memory_space<vmem>>) offsets(%dma_start3A_379 : memref<200xi32, #tpu.memory_space<vmem>>) semaphore(%arg10 : memref<!tpu.dma_semaphore, #tpu.memory_space<semaphore_mem>>)
    %dma_wait3A_383 = arith.constant 3800 : i32
    %dma_wait3A_384 = tpu.memref_slice %arg5[%dma_wait3A_383] : memref<6400xi32, #tpu.memory_space<vmem>> -> memref<200xi32, #tpu.memory_space<vmem>>
    %dma_wait3A_385 = arith.constant 0 : i32
    %dma_wait3A_386 = arith.constant 0 : i32
    %dma_wait3A_387 = tpu.memref_slice %arg3[%dma_wait3A_385, %dma_wait3A_386] : memref<100000x128xf32, #tpu.memory_space<hbm>> -> memref<100000x128xf32, #tpu.memory_space<hbm>>
    tpu.wait_indirect_dma semaphore(%arg13 : memref<!tpu.dma_semaphore, #tpu.memory_space<semaphore_mem>>) src(%dma_wait3A_387 : memref<100000x128xf32, #tpu.memory_space<hbm>>) dst(%arg9 : memref<200x128xf32, #tpu.memory_space<vmem>>)
    %add3A_388 = arith.constant 3800 : i32
    %add3A_389 = arith.addi %mul3A_2, %add3A_388 : i32
    %dma_start3A_390 = arith.constant 0 : i32
    %dma_start3A_391 = tpu.memref_slice %arg4[%add3A_389, %dma_start3A_390] : memref<204800x128xf32, #tpu.memory_space<hbm>> -> memref<200x128xf32, #tpu.memory_space<hbm>>
    %dma_start3A_392 = arith.constant 0 : i32
    %dma_start3A_393 = tpu.memref_slice %arg4[%add3A_389, %dma_start3A_392] : memref<204800x128xf32, #tpu.memory_space<hbm>> -> memref<200x128xf32, #tpu.memory_space<hbm>>
    tpu.enqueue_dma source(%arg9 : memref<200x128xf32, #tpu.memory_space<vmem>>) target(%dma_start3A_393 : memref<200x128xf32, #tpu.memory_space<hbm>>) target_semaphore(%arg17 : memref<!tpu.dma_semaphore, #tpu.memory_space<semaphore_mem>>)
    %dma_wait3A_394 = arith.constant 0 : i32
    %dma_wait3A_395 = tpu.memref_slice %arg4[%add3A_349, %dma_wait3A_394] : memref<204800x128xf32, #tpu.memory_space<hbm>> -> memref<200x128xf32, #tpu.memory_space<hbm>>
    %dma_wait3A_396 = arith.constant 0 : i32
    %dma_wait3A_397 = tpu.memref_slice %arg4[%add3A_349, %dma_wait3A_396] : memref<204800x128xf32, #tpu.memory_space<hbm>> -> memref<200x128xf32, #tpu.memory_space<hbm>>
    tpu.wait_dma2 semaphore(%arg15 : memref<!tpu.dma_semaphore, #tpu.memory_space<semaphore_mem>>) src(%arg7 : memref<200x128xf32, #tpu.memory_space<vmem>>) dst(%dma_wait3A_397 : memref<200x128xf32, #tpu.memory_space<hbm>>)
    %dma_start3A_398 = arith.constant 4200 : i32
    %dma_start3A_399 = tpu.memref_slice %arg5[%dma_start3A_398] : memref<6400xi32, #tpu.memory_space<vmem>> -> memref<200xi32, #tpu.memory_space<vmem>>
    %dma_start3A_400 = arith.constant 0 : i32
    %dma_start3A_401 = arith.constant 0 : i32
    %dma_start3A_402 = tpu.memref_slice %arg3[%dma_start3A_400, %dma_start3A_401] : memref<100000x128xf32, #tpu.memory_space<hbm>> -> memref<100000x128xf32, #tpu.memory_space<hbm>>
    tpu.enqueue_indirect_dma source(%dma_start3A_402 : memref<100000x128xf32, #tpu.memory_space<hbm>>) target(%arg7 : memref<200x128xf32, #tpu.memory_space<vmem>>) offsets(%dma_start3A_399 : memref<200xi32, #tpu.memory_space<vmem>>) semaphore(%arg11 : memref<!tpu.dma_semaphore, #tpu.memory_space<semaphore_mem>>)
    %dma_wait3A_403 = arith.constant 4000 : i32
    %dma_wait3A_404 = tpu.memref_slice %arg5[%dma_wait3A_403] : memref<6400xi32, #tpu.memory_space<vmem>> -> memref<200xi32, #tpu.memory_space<vmem>>
    %dma_wait3A_405 = arith.constant 0 : i32
    %dma_wait3A_406 = arith.constant 0 : i32
    %dma_wait3A_407 = tpu.memref_slice %arg3[%dma_wait3A_405, %dma_wait3A_406] : memref<100000x128xf32, #tpu.memory_space<hbm>> -> memref<100000x128xf32, #tpu.memory_space<hbm>>
    tpu.wait_indirect_dma semaphore(%arg10 : memref<!tpu.dma_semaphore, #tpu.memory_space<semaphore_mem>>) src(%dma_wait3A_407 : memref<100000x128xf32, #tpu.memory_space<hbm>>) dst(%arg6 : memref<200x128xf32, #tpu.memory_space<vmem>>)
    %add3A_408 = arith.constant 4000 : i32
    %add3A_409 = arith.addi %mul3A_2, %add3A_408 : i32
    %dma_start3A_410 = arith.constant 0 : i32
    %dma_start3A_411 = tpu.memref_slice %arg4[%add3A_409, %dma_start3A_410] : memref<204800x128xf32, #tpu.memory_space<hbm>> -> memref<200x128xf32, #tpu.memory_space<hbm>>
    %dma_start3A_412 = arith.constant 0 : i32
    %dma_start3A_413 = tpu.memref_slice %arg4[%add3A_409, %dma_start3A_412] : memref<204800x128xf32, #tpu.memory_space<hbm>> -> memref<200x128xf32, #tpu.memory_space<hbm>>
    tpu.enqueue_dma source(%arg6 : memref<200x128xf32, #tpu.memory_space<vmem>>) target(%dma_start3A_413 : memref<200x128xf32, #tpu.memory_space<hbm>>) target_semaphore(%arg14 : memref<!tpu.dma_semaphore, #tpu.memory_space<semaphore_mem>>)
    %dma_wait3A_414 = arith.constant 0 : i32
    %dma_wait3A_415 = tpu.memref_slice %arg4[%add3A_369, %dma_wait3A_414] : memref<204800x128xf32, #tpu.memory_space<hbm>> -> memref<200x128xf32, #tpu.memory_space<hbm>>
    %dma_wait3A_416 = arith.constant 0 : i32
    %dma_wait3A_417 = tpu.memref_slice %arg4[%add3A_369, %dma_wait3A_416] : memref<204800x128xf32, #tpu.memory_space<hbm>> -> memref<200x128xf32, #tpu.memory_space<hbm>>
    tpu.wait_dma2 semaphore(%arg16 : memref<!tpu.dma_semaphore, #tpu.memory_space<semaphore_mem>>) src(%arg8 : memref<200x128xf32, #tpu.memory_space<vmem>>) dst(%dma_wait3A_417 : memref<200x128xf32, #tpu.memory_space<hbm>>)
    %dma_start3A_418 = arith.constant 4400 : i32
    %dma_start3A_419 = tpu.memref_slice %arg5[%dma_start3A_418] : memref<6400xi32, #tpu.memory_space<vmem>> -> memref<200xi32, #tpu.memory_space<vmem>>
    %dma_start3A_420 = arith.constant 0 : i32
    %dma_start3A_421 = arith.constant 0 : i32
    %dma_start3A_422 = tpu.memref_slice %arg3[%dma_start3A_420, %dma_start3A_421] : memref<100000x128xf32, #tpu.memory_space<hbm>> -> memref<100000x128xf32, #tpu.memory_space<hbm>>
    tpu.enqueue_indirect_dma source(%dma_start3A_422 : memref<100000x128xf32, #tpu.memory_space<hbm>>) target(%arg8 : memref<200x128xf32, #tpu.memory_space<vmem>>) offsets(%dma_start3A_419 : memref<200xi32, #tpu.memory_space<vmem>>) semaphore(%arg12 : memref<!tpu.dma_semaphore, #tpu.memory_space<semaphore_mem>>)
    %dma_wait3A_423 = arith.constant 4200 : i32
    %dma_wait3A_424 = tpu.memref_slice %arg5[%dma_wait3A_423] : memref<6400xi32, #tpu.memory_space<vmem>> -> memref<200xi32, #tpu.memory_space<vmem>>
    %dma_wait3A_425 = arith.constant 0 : i32
    %dma_wait3A_426 = arith.constant 0 : i32
    %dma_wait3A_427 = tpu.memref_slice %arg3[%dma_wait3A_425, %dma_wait3A_426] : memref<100000x128xf32, #tpu.memory_space<hbm>> -> memref<100000x128xf32, #tpu.memory_space<hbm>>
    tpu.wait_indirect_dma semaphore(%arg11 : memref<!tpu.dma_semaphore, #tpu.memory_space<semaphore_mem>>) src(%dma_wait3A_427 : memref<100000x128xf32, #tpu.memory_space<hbm>>) dst(%arg7 : memref<200x128xf32, #tpu.memory_space<vmem>>)
    %add3A_428 = arith.constant 4200 : i32
    %add3A_429 = arith.addi %mul3A_2, %add3A_428 : i32
    %dma_start3A_430 = arith.constant 0 : i32
    %dma_start3A_431 = tpu.memref_slice %arg4[%add3A_429, %dma_start3A_430] : memref<204800x128xf32, #tpu.memory_space<hbm>> -> memref<200x128xf32, #tpu.memory_space<hbm>>
    %dma_start3A_432 = arith.constant 0 : i32
    %dma_start3A_433 = tpu.memref_slice %arg4[%add3A_429, %dma_start3A_432] : memref<204800x128xf32, #tpu.memory_space<hbm>> -> memref<200x128xf32, #tpu.memory_space<hbm>>
    tpu.enqueue_dma source(%arg7 : memref<200x128xf32, #tpu.memory_space<vmem>>) target(%dma_start3A_433 : memref<200x128xf32, #tpu.memory_space<hbm>>) target_semaphore(%arg15 : memref<!tpu.dma_semaphore, #tpu.memory_space<semaphore_mem>>)
    %dma_wait3A_434 = arith.constant 0 : i32
    %dma_wait3A_435 = tpu.memref_slice %arg4[%add3A_389, %dma_wait3A_434] : memref<204800x128xf32, #tpu.memory_space<hbm>> -> memref<200x128xf32, #tpu.memory_space<hbm>>
    %dma_wait3A_436 = arith.constant 0 : i32
    %dma_wait3A_437 = tpu.memref_slice %arg4[%add3A_389, %dma_wait3A_436] : memref<204800x128xf32, #tpu.memory_space<hbm>> -> memref<200x128xf32, #tpu.memory_space<hbm>>
    tpu.wait_dma2 semaphore(%arg17 : memref<!tpu.dma_semaphore, #tpu.memory_space<semaphore_mem>>) src(%arg9 : memref<200x128xf32, #tpu.memory_space<vmem>>) dst(%dma_wait3A_437 : memref<200x128xf32, #tpu.memory_space<hbm>>)
    %dma_start3A_438 = arith.constant 4600 : i32
    %dma_start3A_439 = tpu.memref_slice %arg5[%dma_start3A_438] : memref<6400xi32, #tpu.memory_space<vmem>> -> memref<200xi32, #tpu.memory_space<vmem>>
    %dma_start3A_440 = arith.constant 0 : i32
    %dma_start3A_441 = arith.constant 0 : i32
    %dma_start3A_442 = tpu.memref_slice %arg3[%dma_start3A_440, %dma_start3A_441] : memref<100000x128xf32, #tpu.memory_space<hbm>> -> memref<100000x128xf32, #tpu.memory_space<hbm>>
    tpu.enqueue_indirect_dma source(%dma_start3A_442 : memref<100000x128xf32, #tpu.memory_space<hbm>>) target(%arg9 : memref<200x128xf32, #tpu.memory_space<vmem>>) offsets(%dma_start3A_439 : memref<200xi32, #tpu.memory_space<vmem>>) semaphore(%arg13 : memref<!tpu.dma_semaphore, #tpu.memory_space<semaphore_mem>>)
    %dma_wait3A_443 = arith.constant 4400 : i32
    %dma_wait3A_444 = tpu.memref_slice %arg5[%dma_wait3A_443] : memref<6400xi32, #tpu.memory_space<vmem>> -> memref<200xi32, #tpu.memory_space<vmem>>
    %dma_wait3A_445 = arith.constant 0 : i32
    %dma_wait3A_446 = arith.constant 0 : i32
    %dma_wait3A_447 = tpu.memref_slice %arg3[%dma_wait3A_445, %dma_wait3A_446] : memref<100000x128xf32, #tpu.memory_space<hbm>> -> memref<100000x128xf32, #tpu.memory_space<hbm>>
    tpu.wait_indirect_dma semaphore(%arg12 : memref<!tpu.dma_semaphore, #tpu.memory_space<semaphore_mem>>) src(%dma_wait3A_447 : memref<100000x128xf32, #tpu.memory_space<hbm>>) dst(%arg8 : memref<200x128xf32, #tpu.memory_space<vmem>>)
    %add3A_448 = arith.constant 4400 : i32
    %add3A_449 = arith.addi %mul3A_2, %add3A_448 : i32
    %dma_start3A_450 = arith.constant 0 : i32
    %dma_start3A_451 = tpu.memref_slice %arg4[%add3A_449, %dma_start3A_450] : memref<204800x128xf32, #tpu.memory_space<hbm>> -> memref<200x128xf32, #tpu.memory_space<hbm>>
    %dma_start3A_452 = arith.constant 0 : i32
    %dma_start3A_453 = tpu.memref_slice %arg4[%add3A_449, %dma_start3A_452] : memref<204800x128xf32, #tpu.memory_space<hbm>> -> memref<200x128xf32, #tpu.memory_space<hbm>>
    tpu.enqueue_dma source(%arg8 : memref<200x128xf32, #tpu.memory_space<vmem>>) target(%dma_start3A_453 : memref<200x128xf32, #tpu.memory_space<hbm>>) target_semaphore(%arg16 : memref<!tpu.dma_semaphore, #tpu.memory_space<semaphore_mem>>)
    %dma_wait3A_454 = arith.constant 0 : i32
    %dma_wait3A_455 = tpu.memref_slice %arg4[%add3A_409, %dma_wait3A_454] : memref<204800x128xf32, #tpu.memory_space<hbm>> -> memref<200x128xf32, #tpu.memory_space<hbm>>
    %dma_wait3A_456 = arith.constant 0 : i32
    %dma_wait3A_457 = tpu.memref_slice %arg4[%add3A_409, %dma_wait3A_456] : memref<204800x128xf32, #tpu.memory_space<hbm>> -> memref<200x128xf32, #tpu.memory_space<hbm>>
    tpu.wait_dma2 semaphore(%arg14 : memref<!tpu.dma_semaphore, #tpu.memory_space<semaphore_mem>>) src(%arg6 : memref<200x128xf32, #tpu.memory_space<vmem>>) dst(%dma_wait3A_457 : memref<200x128xf32, #tpu.memory_space<hbm>>)
    %dma_start3A_458 = arith.constant 4800 : i32
    %dma_start3A_459 = tpu.memref_slice %arg5[%dma_start3A_458] : memref<6400xi32, #tpu.memory_space<vmem>> -> memref<200xi32, #tpu.memory_space<vmem>>
    %dma_start3A_460 = arith.constant 0 : i32
    %dma_start3A_461 = arith.constant 0 : i32
    %dma_start3A_462 = tpu.memref_slice %arg3[%dma_start3A_460, %dma_start3A_461] : memref<100000x128xf32, #tpu.memory_space<hbm>> -> memref<100000x128xf32, #tpu.memory_space<hbm>>
    tpu.enqueue_indirect_dma source(%dma_start3A_462 : memref<100000x128xf32, #tpu.memory_space<hbm>>) target(%arg6 : memref<200x128xf32, #tpu.memory_space<vmem>>) offsets(%dma_start3A_459 : memref<200xi32, #tpu.memory_space<vmem>>) semaphore(%arg10 : memref<!tpu.dma_semaphore, #tpu.memory_space<semaphore_mem>>)
    %dma_wait3A_463 = arith.constant 4600 : i32
    %dma_wait3A_464 = tpu.memref_slice %arg5[%dma_wait3A_463] : memref<6400xi32, #tpu.memory_space<vmem>> -> memref<200xi32, #tpu.memory_space<vmem>>
    %dma_wait3A_465 = arith.constant 0 : i32
    %dma_wait3A_466 = arith.constant 0 : i32
    %dma_wait3A_467 = tpu.memref_slice %arg3[%dma_wait3A_465, %dma_wait3A_466] : memref<100000x128xf32, #tpu.memory_space<hbm>> -> memref<100000x128xf32, #tpu.memory_space<hbm>>
    tpu.wait_indirect_dma semaphore(%arg13 : memref<!tpu.dma_semaphore, #tpu.memory_space<semaphore_mem>>) src(%dma_wait3A_467 : memref<100000x128xf32, #tpu.memory_space<hbm>>) dst(%arg9 : memref<200x128xf32, #tpu.memory_space<vmem>>)
    %add3A_468 = arith.constant 4600 : i32
    %add3A_469 = arith.addi %mul3A_2, %add3A_468 : i32
    %dma_start3A_470 = arith.constant 0 : i32
    %dma_start3A_471 = tpu.memref_slice %arg4[%add3A_469, %dma_start3A_470] : memref<204800x128xf32, #tpu.memory_space<hbm>> -> memref<200x128xf32, #tpu.memory_space<hbm>>
    %dma_start3A_472 = arith.constant 0 : i32
    %dma_start3A_473 = tpu.memref_slice %arg4[%add3A_469, %dma_start3A_472] : memref<204800x128xf32, #tpu.memory_space<hbm>> -> memref<200x128xf32, #tpu.memory_space<hbm>>
    tpu.enqueue_dma source(%arg9 : memref<200x128xf32, #tpu.memory_space<vmem>>) target(%dma_start3A_473 : memref<200x128xf32, #tpu.memory_space<hbm>>) target_semaphore(%arg17 : memref<!tpu.dma_semaphore, #tpu.memory_space<semaphore_mem>>)
    %dma_wait3A_474 = arith.constant 0 : i32
    %dma_wait3A_475 = tpu.memref_slice %arg4[%add3A_429, %dma_wait3A_474] : memref<204800x128xf32, #tpu.memory_space<hbm>> -> memref<200x128xf32, #tpu.memory_space<hbm>>
    %dma_wait3A_476 = arith.constant 0 : i32
    %dma_wait3A_477 = tpu.memref_slice %arg4[%add3A_429, %dma_wait3A_476] : memref<204800x128xf32, #tpu.memory_space<hbm>> -> memref<200x128xf32, #tpu.memory_space<hbm>>
    tpu.wait_dma2 semaphore(%arg15 : memref<!tpu.dma_semaphore, #tpu.memory_space<semaphore_mem>>) src(%arg7 : memref<200x128xf32, #tpu.memory_space<vmem>>) dst(%dma_wait3A_477 : memref<200x128xf32, #tpu.memory_space<hbm>>)
    %dma_start3A_478 = arith.constant 5000 : i32
    %dma_start3A_479 = tpu.memref_slice %arg5[%dma_start3A_478] : memref<6400xi32, #tpu.memory_space<vmem>> -> memref<200xi32, #tpu.memory_space<vmem>>
    %dma_start3A_480 = arith.constant 0 : i32
    %dma_start3A_481 = arith.constant 0 : i32
    %dma_start3A_482 = tpu.memref_slice %arg3[%dma_start3A_480, %dma_start3A_481] : memref<100000x128xf32, #tpu.memory_space<hbm>> -> memref<100000x128xf32, #tpu.memory_space<hbm>>
    tpu.enqueue_indirect_dma source(%dma_start3A_482 : memref<100000x128xf32, #tpu.memory_space<hbm>>) target(%arg7 : memref<200x128xf32, #tpu.memory_space<vmem>>) offsets(%dma_start3A_479 : memref<200xi32, #tpu.memory_space<vmem>>) semaphore(%arg11 : memref<!tpu.dma_semaphore, #tpu.memory_space<semaphore_mem>>)
    %dma_wait3A_483 = arith.constant 4800 : i32
    %dma_wait3A_484 = tpu.memref_slice %arg5[%dma_wait3A_483] : memref<6400xi32, #tpu.memory_space<vmem>> -> memref<200xi32, #tpu.memory_space<vmem>>
    %dma_wait3A_485 = arith.constant 0 : i32
    %dma_wait3A_486 = arith.constant 0 : i32
    %dma_wait3A_487 = tpu.memref_slice %arg3[%dma_wait3A_485, %dma_wait3A_486] : memref<100000x128xf32, #tpu.memory_space<hbm>> -> memref<100000x128xf32, #tpu.memory_space<hbm>>
    tpu.wait_indirect_dma semaphore(%arg10 : memref<!tpu.dma_semaphore, #tpu.memory_space<semaphore_mem>>) src(%dma_wait3A_487 : memref<100000x128xf32, #tpu.memory_space<hbm>>) dst(%arg6 : memref<200x128xf32, #tpu.memory_space<vmem>>)
    %add3A_488 = arith.constant 4800 : i32
    %add3A_489 = arith.addi %mul3A_2, %add3A_488 : i32
    %dma_start3A_490 = arith.constant 0 : i32
    %dma_start3A_491 = tpu.memref_slice %arg4[%add3A_489, %dma_start3A_490] : memref<204800x128xf32, #tpu.memory_space<hbm>> -> memref<200x128xf32, #tpu.memory_space<hbm>>
    %dma_start3A_492 = arith.constant 0 : i32
    %dma_start3A_493 = tpu.memref_slice %arg4[%add3A_489, %dma_start3A_492] : memref<204800x128xf32, #tpu.memory_space<hbm>> -> memref<200x128xf32, #tpu.memory_space<hbm>>
    tpu.enqueue_dma source(%arg6 : memref<200x128xf32, #tpu.memory_space<vmem>>) target(%dma_start3A_493 : memref<200x128xf32, #tpu.memory_space<hbm>>) target_semaphore(%arg14 : memref<!tpu.dma_semaphore, #tpu.memory_space<semaphore_mem>>)
    %dma_wait3A_494 = arith.constant 0 : i32
    %dma_wait3A_495 = tpu.memref_slice %arg4[%add3A_449, %dma_wait3A_494] : memref<204800x128xf32, #tpu.memory_space<hbm>> -> memref<200x128xf32, #tpu.memory_space<hbm>>
    %dma_wait3A_496 = arith.constant 0 : i32
    %dma_wait3A_497 = tpu.memref_slice %arg4[%add3A_449, %dma_wait3A_496] : memref<204800x128xf32, #tpu.memory_space<hbm>> -> memref<200x128xf32, #tpu.memory_space<hbm>>
    tpu.wait_dma2 semaphore(%arg16 : memref<!tpu.dma_semaphore, #tpu.memory_space<semaphore_mem>>) src(%arg8 : memref<200x128xf32, #tpu.memory_space<vmem>>) dst(%dma_wait3A_497 : memref<200x128xf32, #tpu.memory_space<hbm>>)
    %dma_start3A_498 = arith.constant 5200 : i32
    %dma_start3A_499 = tpu.memref_slice %arg5[%dma_start3A_498] : memref<6400xi32, #tpu.memory_space<vmem>> -> memref<200xi32, #tpu.memory_space<vmem>>
    %dma_start3A_500 = arith.constant 0 : i32
    %dma_start3A_501 = arith.constant 0 : i32
    %dma_start3A_502 = tpu.memref_slice %arg3[%dma_start3A_500, %dma_start3A_501] : memref<100000x128xf32, #tpu.memory_space<hbm>> -> memref<100000x128xf32, #tpu.memory_space<hbm>>
    tpu.enqueue_indirect_dma source(%dma_start3A_502 : memref<100000x128xf32, #tpu.memory_space<hbm>>) target(%arg8 : memref<200x128xf32, #tpu.memory_space<vmem>>) offsets(%dma_start3A_499 : memref<200xi32, #tpu.memory_space<vmem>>) semaphore(%arg12 : memref<!tpu.dma_semaphore, #tpu.memory_space<semaphore_mem>>)
    %dma_wait3A_503 = arith.constant 5000 : i32
    %dma_wait3A_504 = tpu.memref_slice %arg5[%dma_wait3A_503] : memref<6400xi32, #tpu.memory_space<vmem>> -> memref<200xi32, #tpu.memory_space<vmem>>
    %dma_wait3A_505 = arith.constant 0 : i32
    %dma_wait3A_506 = arith.constant 0 : i32
    %dma_wait3A_507 = tpu.memref_slice %arg3[%dma_wait3A_505, %dma_wait3A_506] : memref<100000x128xf32, #tpu.memory_space<hbm>> -> memref<100000x128xf32, #tpu.memory_space<hbm>>
    tpu.wait_indirect_dma semaphore(%arg11 : memref<!tpu.dma_semaphore, #tpu.memory_space<semaphore_mem>>) src(%dma_wait3A_507 : memref<100000x128xf32, #tpu.memory_space<hbm>>) dst(%arg7 : memref<200x128xf32, #tpu.memory_space<vmem>>)
    %add3A_508 = arith.constant 5000 : i32
    %add3A_509 = arith.addi %mul3A_2, %add3A_508 : i32
    %dma_start3A_510 = arith.constant 0 : i32
    %dma_start3A_511 = tpu.memref_slice %arg4[%add3A_509, %dma_start3A_510] : memref<204800x128xf32, #tpu.memory_space<hbm>> -> memref<200x128xf32, #tpu.memory_space<hbm>>
    %dma_start3A_512 = arith.constant 0 : i32
    %dma_start3A_513 = tpu.memref_slice %arg4[%add3A_509, %dma_start3A_512] : memref<204800x128xf32, #tpu.memory_space<hbm>> -> memref<200x128xf32, #tpu.memory_space<hbm>>
    tpu.enqueue_dma source(%arg7 : memref<200x128xf32, #tpu.memory_space<vmem>>) target(%dma_start3A_513 : memref<200x128xf32, #tpu.memory_space<hbm>>) target_semaphore(%arg15 : memref<!tpu.dma_semaphore, #tpu.memory_space<semaphore_mem>>)
    %dma_wait3A_514 = arith.constant 0 : i32
    %dma_wait3A_515 = tpu.memref_slice %arg4[%add3A_469, %dma_wait3A_514] : memref<204800x128xf32, #tpu.memory_space<hbm>> -> memref<200x128xf32, #tpu.memory_space<hbm>>
    %dma_wait3A_516 = arith.constant 0 : i32
    %dma_wait3A_517 = tpu.memref_slice %arg4[%add3A_469, %dma_wait3A_516] : memref<204800x128xf32, #tpu.memory_space<hbm>> -> memref<200x128xf32, #tpu.memory_space<hbm>>
    tpu.wait_dma2 semaphore(%arg17 : memref<!tpu.dma_semaphore, #tpu.memory_space<semaphore_mem>>) src(%arg9 : memref<200x128xf32, #tpu.memory_space<vmem>>) dst(%dma_wait3A_517 : memref<200x128xf32, #tpu.memory_space<hbm>>)
    %dma_start3A_518 = arith.constant 5400 : i32
    %dma_start3A_519 = tpu.memref_slice %arg5[%dma_start3A_518] : memref<6400xi32, #tpu.memory_space<vmem>> -> memref<200xi32, #tpu.memory_space<vmem>>
    %dma_start3A_520 = arith.constant 0 : i32
    %dma_start3A_521 = arith.constant 0 : i32
    %dma_start3A_522 = tpu.memref_slice %arg3[%dma_start3A_520, %dma_start3A_521] : memref<100000x128xf32, #tpu.memory_space<hbm>> -> memref<100000x128xf32, #tpu.memory_space<hbm>>
    tpu.enqueue_indirect_dma source(%dma_start3A_522 : memref<100000x128xf32, #tpu.memory_space<hbm>>) target(%arg9 : memref<200x128xf32, #tpu.memory_space<vmem>>) offsets(%dma_start3A_519 : memref<200xi32, #tpu.memory_space<vmem>>) semaphore(%arg13 : memref<!tpu.dma_semaphore, #tpu.memory_space<semaphore_mem>>)
    %dma_wait3A_523 = arith.constant 5200 : i32
    %dma_wait3A_524 = tpu.memref_slice %arg5[%dma_wait3A_523] : memref<6400xi32, #tpu.memory_space<vmem>> -> memref<200xi32, #tpu.memory_space<vmem>>
    %dma_wait3A_525 = arith.constant 0 : i32
    %dma_wait3A_526 = arith.constant 0 : i32
    %dma_wait3A_527 = tpu.memref_slice %arg3[%dma_wait3A_525, %dma_wait3A_526] : memref<100000x128xf32, #tpu.memory_space<hbm>> -> memref<100000x128xf32, #tpu.memory_space<hbm>>
    tpu.wait_indirect_dma semaphore(%arg12 : memref<!tpu.dma_semaphore, #tpu.memory_space<semaphore_mem>>) src(%dma_wait3A_527 : memref<100000x128xf32, #tpu.memory_space<hbm>>) dst(%arg8 : memref<200x128xf32, #tpu.memory_space<vmem>>)
    %add3A_528 = arith.constant 5200 : i32
    %add3A_529 = arith.addi %mul3A_2, %add3A_528 : i32
    %dma_start3A_530 = arith.constant 0 : i32
    %dma_start3A_531 = tpu.memref_slice %arg4[%add3A_529, %dma_start3A_530] : memref<204800x128xf32, #tpu.memory_space<hbm>> -> memref<200x128xf32, #tpu.memory_space<hbm>>
    %dma_start3A_532 = arith.constant 0 : i32
    %dma_start3A_533 = tpu.memref_slice %arg4[%add3A_529, %dma_start3A_532] : memref<204800x128xf32, #tpu.memory_space<hbm>> -> memref<200x128xf32, #tpu.memory_space<hbm>>
    tpu.enqueue_dma source(%arg8 : memref<200x128xf32, #tpu.memory_space<vmem>>) target(%dma_start3A_533 : memref<200x128xf32, #tpu.memory_space<hbm>>) target_semaphore(%arg16 : memref<!tpu.dma_semaphore, #tpu.memory_space<semaphore_mem>>)
    %dma_wait3A_534 = arith.constant 0 : i32
    %dma_wait3A_535 = tpu.memref_slice %arg4[%add3A_489, %dma_wait3A_534] : memref<204800x128xf32, #tpu.memory_space<hbm>> -> memref<200x128xf32, #tpu.memory_space<hbm>>
    %dma_wait3A_536 = arith.constant 0 : i32
    %dma_wait3A_537 = tpu.memref_slice %arg4[%add3A_489, %dma_wait3A_536] : memref<204800x128xf32, #tpu.memory_space<hbm>> -> memref<200x128xf32, #tpu.memory_space<hbm>>
    tpu.wait_dma2 semaphore(%arg14 : memref<!tpu.dma_semaphore, #tpu.memory_space<semaphore_mem>>) src(%arg6 : memref<200x128xf32, #tpu.memory_space<vmem>>) dst(%dma_wait3A_537 : memref<200x128xf32, #tpu.memory_space<hbm>>)
    %dma_start3A_538 = arith.constant 5600 : i32
    %dma_start3A_539 = tpu.memref_slice %arg5[%dma_start3A_538] : memref<6400xi32, #tpu.memory_space<vmem>> -> memref<200xi32, #tpu.memory_space<vmem>>
    %dma_start3A_540 = arith.constant 0 : i32
    %dma_start3A_541 = arith.constant 0 : i32
    %dma_start3A_542 = tpu.memref_slice %arg3[%dma_start3A_540, %dma_start3A_541] : memref<100000x128xf32, #tpu.memory_space<hbm>> -> memref<100000x128xf32, #tpu.memory_space<hbm>>
    tpu.enqueue_indirect_dma source(%dma_start3A_542 : memref<100000x128xf32, #tpu.memory_space<hbm>>) target(%arg6 : memref<200x128xf32, #tpu.memory_space<vmem>>) offsets(%dma_start3A_539 : memref<200xi32, #tpu.memory_space<vmem>>) semaphore(%arg10 : memref<!tpu.dma_semaphore, #tpu.memory_space<semaphore_mem>>)
    %dma_wait3A_543 = arith.constant 5400 : i32
    %dma_wait3A_544 = tpu.memref_slice %arg5[%dma_wait3A_543] : memref<6400xi32, #tpu.memory_space<vmem>> -> memref<200xi32, #tpu.memory_space<vmem>>
    %dma_wait3A_545 = arith.constant 0 : i32
    %dma_wait3A_546 = arith.constant 0 : i32
    %dma_wait3A_547 = tpu.memref_slice %arg3[%dma_wait3A_545, %dma_wait3A_546] : memref<100000x128xf32, #tpu.memory_space<hbm>> -> memref<100000x128xf32, #tpu.memory_space<hbm>>
    tpu.wait_indirect_dma semaphore(%arg13 : memref<!tpu.dma_semaphore, #tpu.memory_space<semaphore_mem>>) src(%dma_wait3A_547 : memref<100000x128xf32, #tpu.memory_space<hbm>>) dst(%arg9 : memref<200x128xf32, #tpu.memory_space<vmem>>)
    %add3A_548 = arith.constant 5400 : i32
    %add3A_549 = arith.addi %mul3A_2, %add3A_548 : i32
    %dma_start3A_550 = arith.constant 0 : i32
    %dma_start3A_551 = tpu.memref_slice %arg4[%add3A_549, %dma_start3A_550] : memref<204800x128xf32, #tpu.memory_space<hbm>> -> memref<200x128xf32, #tpu.memory_space<hbm>>
    %dma_start3A_552 = arith.constant 0 : i32
    %dma_start3A_553 = tpu.memref_slice %arg4[%add3A_549, %dma_start3A_552] : memref<204800x128xf32, #tpu.memory_space<hbm>> -> memref<200x128xf32, #tpu.memory_space<hbm>>
    tpu.enqueue_dma source(%arg9 : memref<200x128xf32, #tpu.memory_space<vmem>>) target(%dma_start3A_553 : memref<200x128xf32, #tpu.memory_space<hbm>>) target_semaphore(%arg17 : memref<!tpu.dma_semaphore, #tpu.memory_space<semaphore_mem>>)
    %dma_wait3A_554 = arith.constant 0 : i32
    %dma_wait3A_555 = tpu.memref_slice %arg4[%add3A_509, %dma_wait3A_554] : memref<204800x128xf32, #tpu.memory_space<hbm>> -> memref<200x128xf32, #tpu.memory_space<hbm>>
    %dma_wait3A_556 = arith.constant 0 : i32
    %dma_wait3A_557 = tpu.memref_slice %arg4[%add3A_509, %dma_wait3A_556] : memref<204800x128xf32, #tpu.memory_space<hbm>> -> memref<200x128xf32, #tpu.memory_space<hbm>>
    tpu.wait_dma2 semaphore(%arg15 : memref<!tpu.dma_semaphore, #tpu.memory_space<semaphore_mem>>) src(%arg7 : memref<200x128xf32, #tpu.memory_space<vmem>>) dst(%dma_wait3A_557 : memref<200x128xf32, #tpu.memory_space<hbm>>)
    %dma_start3A_558 = arith.constant 5800 : i32
    %dma_start3A_559 = tpu.memref_slice %arg5[%dma_start3A_558] : memref<6400xi32, #tpu.memory_space<vmem>> -> memref<200xi32, #tpu.memory_space<vmem>>
    %dma_start3A_560 = arith.constant 0 : i32
    %dma_start3A_561 = arith.constant 0 : i32
    %dma_start3A_562 = tpu.memref_slice %arg3[%dma_start3A_560, %dma_start3A_561] : memref<100000x128xf32, #tpu.memory_space<hbm>> -> memref<100000x128xf32, #tpu.memory_space<hbm>>
    tpu.enqueue_indirect_dma source(%dma_start3A_562 : memref<100000x128xf32, #tpu.memory_space<hbm>>) target(%arg7 : memref<200x128xf32, #tpu.memory_space<vmem>>) offsets(%dma_start3A_559 : memref<200xi32, #tpu.memory_space<vmem>>) semaphore(%arg11 : memref<!tpu.dma_semaphore, #tpu.memory_space<semaphore_mem>>)
    %dma_wait3A_563 = arith.constant 5600 : i32
    %dma_wait3A_564 = tpu.memref_slice %arg5[%dma_wait3A_563] : memref<6400xi32, #tpu.memory_space<vmem>> -> memref<200xi32, #tpu.memory_space<vmem>>
    %dma_wait3A_565 = arith.constant 0 : i32
    %dma_wait3A_566 = arith.constant 0 : i32
    %dma_wait3A_567 = tpu.memref_slice %arg3[%dma_wait3A_565, %dma_wait3A_566] : memref<100000x128xf32, #tpu.memory_space<hbm>> -> memref<100000x128xf32, #tpu.memory_space<hbm>>
    tpu.wait_indirect_dma semaphore(%arg10 : memref<!tpu.dma_semaphore, #tpu.memory_space<semaphore_mem>>) src(%dma_wait3A_567 : memref<100000x128xf32, #tpu.memory_space<hbm>>) dst(%arg6 : memref<200x128xf32, #tpu.memory_space<vmem>>)
    %add3A_568 = arith.constant 5600 : i32
    %add3A_569 = arith.addi %mul3A_2, %add3A_568 : i32
    %dma_start3A_570 = arith.constant 0 : i32
    %dma_start3A_571 = tpu.memref_slice %arg4[%add3A_569, %dma_start3A_570] : memref<204800x128xf32, #tpu.memory_space<hbm>> -> memref<200x128xf32, #tpu.memory_space<hbm>>
    %dma_start3A_572 = arith.constant 0 : i32
    %dma_start3A_573 = tpu.memref_slice %arg4[%add3A_569, %dma_start3A_572] : memref<204800x128xf32, #tpu.memory_space<hbm>> -> memref<200x128xf32, #tpu.memory_space<hbm>>
    tpu.enqueue_dma source(%arg6 : memref<200x128xf32, #tpu.memory_space<vmem>>) target(%dma_start3A_573 : memref<200x128xf32, #tpu.memory_space<hbm>>) target_semaphore(%arg14 : memref<!tpu.dma_semaphore, #tpu.memory_space<semaphore_mem>>)
    %dma_wait3A_574 = arith.constant 0 : i32
    %dma_wait3A_575 = tpu.memref_slice %arg4[%add3A_529, %dma_wait3A_574] : memref<204800x128xf32, #tpu.memory_space<hbm>> -> memref<200x128xf32, #tpu.memory_space<hbm>>
    %dma_wait3A_576 = arith.constant 0 : i32
    %dma_wait3A_577 = tpu.memref_slice %arg4[%add3A_529, %dma_wait3A_576] : memref<204800x128xf32, #tpu.memory_space<hbm>> -> memref<200x128xf32, #tpu.memory_space<hbm>>
    tpu.wait_dma2 semaphore(%arg16 : memref<!tpu.dma_semaphore, #tpu.memory_space<semaphore_mem>>) src(%arg8 : memref<200x128xf32, #tpu.memory_space<vmem>>) dst(%dma_wait3A_577 : memref<200x128xf32, #tpu.memory_space<hbm>>)
    %dma_start3A_578 = arith.constant 6000 : i32
    %dma_start3A_579 = tpu.memref_slice %arg5[%dma_start3A_578] : memref<6400xi32, #tpu.memory_space<vmem>> -> memref<200xi32, #tpu.memory_space<vmem>>
    %dma_start3A_580 = arith.constant 0 : i32
    %dma_start3A_581 = arith.constant 0 : i32
    %dma_start3A_582 = tpu.memref_slice %arg3[%dma_start3A_580, %dma_start3A_581] : memref<100000x128xf32, #tpu.memory_space<hbm>> -> memref<100000x128xf32, #tpu.memory_space<hbm>>
    tpu.enqueue_indirect_dma source(%dma_start3A_582 : memref<100000x128xf32, #tpu.memory_space<hbm>>) target(%arg8 : memref<200x128xf32, #tpu.memory_space<vmem>>) offsets(%dma_start3A_579 : memref<200xi32, #tpu.memory_space<vmem>>) semaphore(%arg12 : memref<!tpu.dma_semaphore, #tpu.memory_space<semaphore_mem>>)
    %dma_wait3A_583 = arith.constant 5800 : i32
    %dma_wait3A_584 = tpu.memref_slice %arg5[%dma_wait3A_583] : memref<6400xi32, #tpu.memory_space<vmem>> -> memref<200xi32, #tpu.memory_space<vmem>>
    %dma_wait3A_585 = arith.constant 0 : i32
    %dma_wait3A_586 = arith.constant 0 : i32
    %dma_wait3A_587 = tpu.memref_slice %arg3[%dma_wait3A_585, %dma_wait3A_586] : memref<100000x128xf32, #tpu.memory_space<hbm>> -> memref<100000x128xf32, #tpu.memory_space<hbm>>
    tpu.wait_indirect_dma semaphore(%arg11 : memref<!tpu.dma_semaphore, #tpu.memory_space<semaphore_mem>>) src(%dma_wait3A_587 : memref<100000x128xf32, #tpu.memory_space<hbm>>) dst(%arg7 : memref<200x128xf32, #tpu.memory_space<vmem>>)
    %add3A_588 = arith.constant 5800 : i32
    %add3A_589 = arith.addi %mul3A_2, %add3A_588 : i32
    %dma_start3A_590 = arith.constant 0 : i32
    %dma_start3A_591 = tpu.memref_slice %arg4[%add3A_589, %dma_start3A_590] : memref<204800x128xf32, #tpu.memory_space<hbm>> -> memref<200x128xf32, #tpu.memory_space<hbm>>
    %dma_start3A_592 = arith.constant 0 : i32
    %dma_start3A_593 = tpu.memref_slice %arg4[%add3A_589, %dma_start3A_592] : memref<204800x128xf32, #tpu.memory_space<hbm>> -> memref<200x128xf32, #tpu.memory_space<hbm>>
    tpu.enqueue_dma source(%arg7 : memref<200x128xf32, #tpu.memory_space<vmem>>) target(%dma_start3A_593 : memref<200x128xf32, #tpu.memory_space<hbm>>) target_semaphore(%arg15 : memref<!tpu.dma_semaphore, #tpu.memory_space<semaphore_mem>>)
    %dma_wait3A_594 = arith.constant 0 : i32
    %dma_wait3A_595 = tpu.memref_slice %arg4[%add3A_549, %dma_wait3A_594] : memref<204800x128xf32, #tpu.memory_space<hbm>> -> memref<200x128xf32, #tpu.memory_space<hbm>>
    %dma_wait3A_596 = arith.constant 0 : i32
    %dma_wait3A_597 = tpu.memref_slice %arg4[%add3A_549, %dma_wait3A_596] : memref<204800x128xf32, #tpu.memory_space<hbm>> -> memref<200x128xf32, #tpu.memory_space<hbm>>
    tpu.wait_dma2 semaphore(%arg17 : memref<!tpu.dma_semaphore, #tpu.memory_space<semaphore_mem>>) src(%arg9 : memref<200x128xf32, #tpu.memory_space<vmem>>) dst(%dma_wait3A_597 : memref<200x128xf32, #tpu.memory_space<hbm>>)
    %dma_start3A_598 = arith.constant 6200 : i32
    %dma_start3A_599 = tpu.memref_slice %arg5[%dma_start3A_598] : memref<6400xi32, #tpu.memory_space<vmem>> -> memref<200xi32, #tpu.memory_space<vmem>>
    %dma_start3A_600 = arith.constant 0 : i32
    %dma_start3A_601 = arith.constant 0 : i32
    %dma_start3A_602 = tpu.memref_slice %arg3[%dma_start3A_600, %dma_start3A_601] : memref<100000x128xf32, #tpu.memory_space<hbm>> -> memref<100000x128xf32, #tpu.memory_space<hbm>>
    tpu.enqueue_indirect_dma source(%dma_start3A_602 : memref<100000x128xf32, #tpu.memory_space<hbm>>) target(%arg9 : memref<200x128xf32, #tpu.memory_space<vmem>>) offsets(%dma_start3A_599 : memref<200xi32, #tpu.memory_space<vmem>>) semaphore(%arg13 : memref<!tpu.dma_semaphore, #tpu.memory_space<semaphore_mem>>)
    %dma_wait3A_603 = arith.constant 6000 : i32
    %dma_wait3A_604 = tpu.memref_slice %arg5[%dma_wait3A_603] : memref<6400xi32, #tpu.memory_space<vmem>> -> memref<200xi32, #tpu.memory_space<vmem>>
    %dma_wait3A_605 = arith.constant 0 : i32
    %dma_wait3A_606 = arith.constant 0 : i32
    %dma_wait3A_607 = tpu.memref_slice %arg3[%dma_wait3A_605, %dma_wait3A_606] : memref<100000x128xf32, #tpu.memory_space<hbm>> -> memref<100000x128xf32, #tpu.memory_space<hbm>>
    tpu.wait_indirect_dma semaphore(%arg12 : memref<!tpu.dma_semaphore, #tpu.memory_space<semaphore_mem>>) src(%dma_wait3A_607 : memref<100000x128xf32, #tpu.memory_space<hbm>>) dst(%arg8 : memref<200x128xf32, #tpu.memory_space<vmem>>)
    %add3A_608 = arith.constant 6000 : i32
    %add3A_609 = arith.addi %mul3A_2, %add3A_608 : i32
    %dma_start3A_610 = arith.constant 0 : i32
    %dma_start3A_611 = tpu.memref_slice %arg4[%add3A_609, %dma_start3A_610] : memref<204800x128xf32, #tpu.memory_space<hbm>> -> memref<200x128xf32, #tpu.memory_space<hbm>>
    %dma_start3A_612 = arith.constant 0 : i32
    %dma_start3A_613 = tpu.memref_slice %arg4[%add3A_609, %dma_start3A_612] : memref<204800x128xf32, #tpu.memory_space<hbm>> -> memref<200x128xf32, #tpu.memory_space<hbm>>
    tpu.enqueue_dma source(%arg8 : memref<200x128xf32, #tpu.memory_space<vmem>>) target(%dma_start3A_613 : memref<200x128xf32, #tpu.memory_space<hbm>>) target_semaphore(%arg16 : memref<!tpu.dma_semaphore, #tpu.memory_space<semaphore_mem>>)
    %dma_wait3A_614 = arith.constant 6200 : i32
    %dma_wait3A_615 = tpu.memref_slice %arg5[%dma_wait3A_614] : memref<6400xi32, #tpu.memory_space<vmem>> -> memref<200xi32, #tpu.memory_space<vmem>>
    %dma_wait3A_616 = arith.constant 0 : i32
    %dma_wait3A_617 = arith.constant 0 : i32
    %dma_wait3A_618 = tpu.memref_slice %arg3[%dma_wait3A_616, %dma_wait3A_617] : memref<100000x128xf32, #tpu.memory_space<hbm>> -> memref<100000x128xf32, #tpu.memory_space<hbm>>
    tpu.wait_indirect_dma semaphore(%arg13 : memref<!tpu.dma_semaphore, #tpu.memory_space<semaphore_mem>>) src(%dma_wait3A_618 : memref<100000x128xf32, #tpu.memory_space<hbm>>) dst(%arg9 : memref<200x128xf32, #tpu.memory_space<vmem>>)
    %add3A_619 = arith.constant 6200 : i32
    %add3A_620 = arith.addi %mul3A_2, %add3A_619 : i32
    %dma_start3A_621 = arith.constant 0 : i32
    %dma_start3A_622 = tpu.memref_slice %arg4[%add3A_620, %dma_start3A_621] : memref<204800x128xf32, #tpu.memory_space<hbm>> -> memref<200x128xf32, #tpu.memory_space<hbm>>
    %dma_start3A_623 = arith.constant 0 : i32
    %dma_start3A_624 = tpu.memref_slice %arg4[%add3A_620, %dma_start3A_623] : memref<204800x128xf32, #tpu.memory_space<hbm>> -> memref<200x128xf32, #tpu.memory_space<hbm>>
    tpu.enqueue_dma source(%arg9 : memref<200x128xf32, #tpu.memory_space<vmem>>) target(%dma_start3A_624 : memref<200x128xf32, #tpu.memory_space<hbm>>) target_semaphore(%arg17 : memref<!tpu.dma_semaphore, #tpu.memory_space<semaphore_mem>>)
    %dma_wait3A_625 = arith.constant 0 : i32
    %dma_wait3A_626 = tpu.memref_slice %arg4[%add3A_589, %dma_wait3A_625] : memref<204800x128xf32, #tpu.memory_space<hbm>> -> memref<200x128xf32, #tpu.memory_space<hbm>>
    %dma_wait3A_627 = arith.constant 0 : i32
    %dma_wait3A_628 = tpu.memref_slice %arg4[%add3A_589, %dma_wait3A_627] : memref<204800x128xf32, #tpu.memory_space<hbm>> -> memref<200x128xf32, #tpu.memory_space<hbm>>
    tpu.wait_dma2 semaphore(%arg15 : memref<!tpu.dma_semaphore, #tpu.memory_space<semaphore_mem>>) src(%arg7 : memref<200x128xf32, #tpu.memory_space<vmem>>) dst(%dma_wait3A_628 : memref<200x128xf32, #tpu.memory_space<hbm>>)
    %dma_wait3A_629 = arith.constant 0 : i32
    %dma_wait3A_630 = tpu.memref_slice %arg4[%add3A_609, %dma_wait3A_629] : memref<204800x128xf32, #tpu.memory_space<hbm>> -> memref<200x128xf32, #tpu.memory_space<hbm>>
    %dma_wait3A_631 = arith.constant 0 : i32
    %dma_wait3A_632 = tpu.memref_slice %arg4[%add3A_609, %dma_wait3A_631] : memref<204800x128xf32, #tpu.memory_space<hbm>> -> memref<200x128xf32, #tpu.memory_space<hbm>>
    tpu.wait_dma2 semaphore(%arg16 : memref<!tpu.dma_semaphore, #tpu.memory_space<semaphore_mem>>) src(%arg8 : memref<200x128xf32, #tpu.memory_space<vmem>>) dst(%dma_wait3A_632 : memref<200x128xf32, #tpu.memory_space<hbm>>)
    %dma_wait3A_633 = arith.constant 0 : i32
    %dma_wait3A_634 = tpu.memref_slice %arg4[%add3A_620, %dma_wait3A_633] : memref<204800x128xf32, #tpu.memory_space<hbm>> -> memref<200x128xf32, #tpu.memory_space<hbm>>
    %dma_wait3A_635 = arith.constant 0 : i32
    %dma_wait3A_636 = tpu.memref_slice %arg4[%add3A_620, %dma_wait3A_635] : memref<204800x128xf32, #tpu.memory_space<hbm>> -> memref<200x128xf32, #tpu.memory_space<hbm>>
    tpu.wait_dma2 semaphore(%arg17 : memref<!tpu.dma_semaphore, #tpu.memory_space<semaphore_mem>>) src(%arg9 : memref<200x128xf32, #tpu.memory_space<vmem>>) dst(%dma_wait3A_636 : memref<200x128xf32, #tpu.memory_space<hbm>>)
    return
  }
}

</mosaic_0001>

<sc_bundles>
// kernel: kernel.3.cloned.1.call-start
scs
__scs_entry_jumppad:
0x0: {  	(pc) =	sbr.rel $0x88, $3  }
0x1: {  	(tag) =	ssettag $0x0;
	lr =	simm.s32 $0x1  }
0x2: {  	[smem:$0x3F9F] =	sst lr;
	_ =	strace $0xD0000000  }
0x3: {  	_ = 	snop  }
0x4: {  	_ = 	snop  }
0x5: {  	_ = 	snop  }
0x6: {  	_ = 	snop  }
0x7: {  	_ = 	snop  }
__scs_overlays_trampoline_lowered:
0x8: {  	[smem:$0x3FAE] =	sst s0  }
0x9: {  	[smem:$0x3FAF] =	sst s1  }
0xa: {  	[smem:$0x3FB0] =	sst s2  }
0xb: {  	[smem:$0x3FB1] =	sst s3  }
0xc: {  	[smem:$0x3FB2] =	sst s4  }
0xd: {  	[smem:$0x3FB3] =	sst s5  }
0xe: {  	[smem:$0x3FB4] =	sst s6  }
0xf: {  	[smem:$0x3FB5] =	sst s7  }
0x10: {  	[smem:$0x3FB6] =	sst s8  }
0x11: {  	[smem:$0x3FB7] =	sst s9;
	s0 =	simm.s32 @!p0 $0x0  }
0x12: {  	s1 =	sld [smem:$0x3F9D];
	s0 =	simm.s32 @p0 $0x1  }
0x13: {  	[smem:$0x3FB8] =	sst s0;
	s0 =	simm.s32 @!p1 $0x0  }
0x14: {  	s2 =	sld [smem:$0x3F9C];
	s0 =	simm.s32 @p1 $0x1  }
0x15: {  	[smem:$0x3FB9] =	sst s0;
	s0 =	simm.s32 @!p2 $0x0  }
0x16: {  	s3 =	sld [smem:$0x3FDB];
	s0 =	simm.s32 @p2 $0x1  }
0x17: {  	s4 =	simm.s32 $0x1BF5;
	[smem:$0x3FBB] =	sst s0  }
0x18: {  	s0 =	sld [smem:$0x3F9E];
	_ =	swait.ge [sflag:s4], $0x0  }
0x19: {  	s7 =	sld [smem:$0x3F9F]  }
0x1a: {  	s8 =	sadd.s32 $0xFFFFE003, lr  }
0x1b: {  	s9 =	sadd.s32 $0xFFFFFEF7, lr;
	s5 =	simm.s32 $0xFFFFFFFF;
	p2 =	slt.u32 s8, $0xFFFFF086  }
0x1c: {  	p1 =	slt.u32 s9, $0xF7A;
	s5 =	simm.s32 @!p2 $0x0  }
0x1d: {  	s5 =	simm.s32 @p1 $0x1;
	p0 =	seq.s32 s7, s2  }
0x1e: {  	s7 =	smul.u32 @!p0 $0xF7A, s2;
	p2 =	seq.s32 @!p0 s5, $0x0  }
0x1f: {  	s9 =	smul.u32 $0xF7A, s1;
	s8 =	simm.s32 @!p0 $0x1BF5;
	p2 =	por !p2, p0  }
0x20: {  	[sflag:s8] =	ssyncset.s32 @!p0 $0xFFFFF086;
	s6 =	sadd.s32 @!p0 s3, s7;
	s7 =	simm.s32 @!p0 $0x108  }
0x21: {  	s3 =	sadd.s32 s3, s9;
	s6 =	sadd.s32 @!p0 $0x88, s6;
	s7 =	simm.s32 @p2 $0x1082  }
0x22: {  	[simem:s7], [sflag:s8] =	dma.local @!p0 [hbm:s6], $0xF7A  }
0x23: {  	s9 =	sor.u32 $0xD0000000, s2;
	s6 =	simm.s32 $0x108;
	_ =	swait.ge @!p0 [sflag:s8], $0x0  }
0x24: {  	s3 =	sadd.s32 $0x88, s3;
	s6 =	simm.s32 @!p1 $0x1082;
	[sflag:s4] =	ssyncset.s32 $0xFFFFF086  }
0x25: {  	[simem:s6], [sflag:s4] =	dma.local [hbm:s3], $0xF7A  }
0x26: {  	[smem:$0x3F9F] =	sst s1;
	(tag) =	ssettag s2;
	_ =	strace s9  }
0x27: {  	s1 =	sld [smem:$0x3FAF]  }
0x28: {  	s2 =	sld [smem:$0x3FB0]  }
0x29: {  	s4 =	sld [smem:$0x3FB2]  }
0x2a: {  	p0 =	seq.s32 s5, $0x0;
	s5 =	sld [smem:$0x3FB3]  }
0x2b: {  	s6 =	sld [smem:$0x3FB4]  }
0x2c: {  	s7 =	sld [smem:$0x3FB5]  }
0x2d: {  	s3 =	simm.s32 $0x108;
	s8 =	sld [smem:$0x3FB6]  }
0x2e: {  	s3 =	simm.s32 @!p0 $0x1082;
	s9 =	sld [smem:$0x3FB7]  }
0x2f: {  	lr =	sadd.s32 s0, s3;
	s0 =	sld [smem:$0x3FAE]  }
0x30: {  	s3 =	sld [smem:$0x3FB1]  }
0x31: {  	[smem:$0x3FBA] =	sst s10  }
0x32: {  	s10 =	sld [smem:$0x3FB8];
	_ =	sdelay $0x3  }
0x33: {  	p0 =	seq.s32 s10, $0x1;
	s10 =	sld [smem:$0x3FBA];
	_ =	sdelay $0x3  }
0x34: {  	[smem:$0x3FBA] =	sst s10  }
0x35: {  	s10 =	sld [smem:$0x3FB9];
	_ =	sdelay $0x3  }
0x36: {  	p1 =	seq.s32 s10, $0x1;
	s10 =	sld [smem:$0x3FBA];
	_ =	sdelay $0x3  }
0x37: {  	[smem:$0x3FBA] =	sst s10  }
0x38: {  	s10 =	sld [smem:$0x3FBB]  }
0x39: {  	_ = 	snop;
	(pc) =	sbr.ind lr, $3  }
0x3a: {  	_ = 	snop  }
0x3b: {  	_ = 	snop  }
0x3c: {  	p2 =	seq.s32 s10, $0x1;
	s10 =	sld [smem:$0x3FBA]  }
0x3d: {  	_ =	shalt  }
0x3e: {  	_ =	shalt  }
0x3f: {  	_ =	shalt  }
0x40: {  	_ =	shalt  }
0x41: {  	_ =	shalt  }
0x42: {  	_ =	shalt  }
0x43: {  	_ =	shalt  }
0x44: {  	_ =	shalt  }
0x45: {  	_ =	shalt  }
0x46: {  	_ =	shalt  }
0x47: {  	_ =	shalt  }
0x48: {  	_ =	shalt  }
0x49: {  	_ =	shalt  }
0x4a: {  	_ =	shalt  }
0x4b: {  	_ =	shalt  }
0x4c: {  	_ =	shalt  }
0x4d: {  	_ =	shalt  }
0x4e: {  	_ =	shalt  }
0x4f: {  	_ =	shalt  }
0x50: {  	_ =	shalt  }
0x51: {  	_ =	shalt  }
0x52: {  	_ =	shalt  }
0x53: {  	_ =	shalt  }
0x54: {  	_ =	shalt  }
0x55: {  	_ =	shalt  }
0x56: {  	_ =	shalt  }
0x57: {  	_ =	shalt  }
0x58: {  	_ =	shalt  }
0x59: {  	_ =	shalt  }
0x5a: {  	_ =	shalt  }
0x5b: {  	_ =	shalt  }
0x5c: {  	_ =	shalt  }
0x5d: {  	_ =	shalt  }
0x5e: {  	_ =	shalt  }
0x5f: {  	_ =	shalt  }
0x60: {  	_ =	shalt  }
0x61: {  	_ =	shalt  }
0x62: {  	_ =	shalt  }
0x63: {  	_ =	shalt  }
0x64: {  	_ =	shalt  }
0x65: {  	_ =	shalt  }
0x66: {  	_ =	shalt  }
0x67: {  	_ =	shalt  }
0x68: {  	_ =	shalt  }
0x69: {  	_ =	shalt  }
0x6a: {  	_ =	shalt  }
0x6b: {  	_ =	shalt  }
0x6c: {  	_ =	shalt  }
0x6d: {  	_ =	shalt  }
0x6e: {  	_ =	shalt  }
0x6f: {  	_ =	shalt  }
0x70: {  	_ =	shalt  }
0x71: {  	_ =	shalt  }
0x72: {  	_ =	shalt  }
0x73: {  	_ =	shalt  }
0x74: {  	_ =	shalt  }
0x75: {  	_ =	shalt  }
0x76: {  	_ =	shalt  }
0x77: {  	_ =	shalt  }
0x78: {  	_ =	shalt  }
0x79: {  	_ =	shalt  }
0x7a: {  	_ =	shalt  }
0x7b: {  	_ =	shalt  }
0x7c: {  	_ =	shalt  }
0x7d: {  	_ =	shalt  }
0x7e: {  	_ =	shalt  }
0x7f: {  	_ =	shalt  }
0x80: {  	_ =	shalt  }
0x81: {  	_ =	shalt  }
0x82: {  	_ =	shalt  }
0x83: {  	_ =	shalt  }
0x84: {  	_ =	shalt  }
0x85: {  	_ =	shalt  }
0x86: {  	_ =	shalt  }
0x87: {  	_ =	shalt  }
.Lfunc_end0:
.L_simem_size_0:
called_computation_lowered:
.L_overlay_start_0:
0x88: {  	s2 =	sld [smem:$0x3FD9]  }
0x89: {  	s3 =	sld [smem:$0x3FFE];
	_ =	sdelay $0x1  }
0x8a: {  	s1 =	srdreg.scid  }
0x8b: {  	s0 =	sand.u32 $0x1, s1  }
0x8c: {  	s17 =	sshll.u32 s0, $0xA;
	s2 =	sadd.s32 s3, s2  }
0x8d: {  	s2 =	sadd.s32 s2, s17  }
0x8e: {  	[smem:$0x3FC6] =	sst s2  }
0x8f: {  	_ = 	snop  }
0x90: {  	s2 =	sld [smem:$0x3FC8]  }
0x91: {  	s18 =	sld [smem:$0x3FD0];
	(tm) =	ssettm $0x1  }
0x92: {  	s4 =	sld [smem:$0x3FFB];
	_ =	sdelay $0x3  }
0x93: {  	_ =	strace s4  }
0x94: {  	s4 =	sld [smem:$0x3FFC];
	_ =	sdelay $0x3  }
0x95: {  	_ =	strace s4  }
0x96: {  	s4 =	sld [smem:$0x3FFD];
	_ =	sdelay $0x3  }
0x97: {  	_ =	strace s4  }
0x98: {  	_ =	strace $0x8FFFFFFF  }
0x99: {  	s19 =	sld [smem:$0x3FDB];
	_ =	sdelay $0x1  }
0x9a: {  	s5 =	simm.s32 $_scs_section_size  }
0x9b: {  	s6 =	simm.s32 $_size__tile_overlayer_lowered;
	s7 =	simm.s32 $_tile_overlayer_lowered  }
0x9c: {  	s22 =	simm.s32 $0x1BFF;
	s21 =	sshll.u32 s7, $0x1;
	s4 =	sadd.s32 s5, s19  }
0x9d: {  	s8 =	simm.s32 $0x0;
	s20 =	sshll.u32 s6, $0x1;
	s6 =	sadd.s32 s21, s4  }
0x9e: {  	[timem:s8], [sflag:s22] =	dma.local [hbm:s6], s20  }
0x9f: {  	_ =	swait.ge [sflag:s22], s20  }
0xa0: {  	s5 =	ssub.s32 $0x0, s20;
	[sflag:s22] =	ssyncset.done $0x0  }
0xa1: {  	[sflag:s22] =	ssyncadd.s32 s5;
	_ =	sdelay $0x1  }
0xa2: {  	s23 =	simm.s32 $0x1B8B  }
0xa3: {  	_ =	swait.ge [sflag:s23], $0x1  }
0xa4: {  	[sflag:s23] =	ssyncset.done $0x0  }
0xa5: {  	s25 =	simm.s32 $0x1B8E;
	s24 =	sld [smem:$0x3FFE];
	[sflag:s23] =	ssyncadd.s32 $0xFFFFFFFF  }
0xa6: {  	s26 =	simm.s32 $execute0_lowered;
	[smem:$0x3FD2] =	sst s25  }
0xa7: {  	s6 =	sshll.u32 s26, $0x1;
	_ =	strace $0x80000046;
	[dreg:$0x1] =	wrdreg $0xFFFFFFFF  }
0xa8: {  	s28 =	simm.s32 $_size_execute0_lowered;
	s4 =	sadd.s32 s4, s6;
	[dreg:$0x0] =	wrdreg $0x0  }
0xa9: {  	s6 =	sshll.u32 s28, $0x1;
	[dreg:$0x2] =	wrdreg s4  }
0xaa: {  	[dreg:$0x3] =	wrdreg s6  }
0xab: {  	[dreg:$0x4] =	wrdreg $0xC0  }
0xac: {  	_ =	task [dreg:s8], $0x5FFFF  }
0xad: {  	[dreg:$0x1] =	wrdreg $0xFFFFFFFF  }
0xae: {  	[dreg:$0x0] =	wrdreg $0x60  }
0xaf: {  	[dreg:$0x2] =	wrdreg s24  }
0xb0: {  	[dreg:$0x3] =	wrdreg s2  }
0xb1: {  	[dreg:$0x4] =	wrdreg s18  }
0xb2: {  	[dreg:$0x5] =	wrdreg $0x9  }
0xb3: {  	_ =	task.clear_ibuf [dreg:s8], $0x6FFFF;
	_ =	strace $0x90000046  }
0xb4: {  	s29 =	simm.s32 $0x9;
	_ =	strace $0x80000048  }
0xb5: {  	_ =	swait.ge [sflag:s29], $0x1  }
0xb6: {  	[sflag:s29] =	ssyncadd.s32 $0xFFFFFFFF  }
0xb7: {  	_ =	strace $0x90000048  }
0xb8: {  	_ =	sfence  }
0xb9: {  	s30 =	sld [smem:$0x0];
	_ =	sdelay $0x2  }
0xba: {  	s31 =	sshll.u32 s1, $0xD;
	s1 =	sshrl.u32 s1, $0x2  }
0xbb: {  	s3 =	sand.u32 $0x4000, s31;
	s1 =	sadd.s32 s1, s30  }
0xbc: {  	s0 =	sor.u32 s3, s0;
	s1 =	sshll.u32 s1, $0x11  }
0xbd: {  	s0 =	sor.u32 s1, s0  }
0xbe: {  	s0 =	sadd.s32 $0x8F2B, s0  }
0xbf: {  	[sflag:s0] =	ssyncadd.remote.s32 $0x1  }
0xc0: {  	_ =	sfence.sel $0xFFFF  }
0xc1: {  	[dreg:$0x0] =	wrdreg $0xFFFFFFFF;
	(pc) =	sbr.abs _section_cstart, $3  }
0xc2: {  	[dreg:$0x1] =	wrdreg $0xFFFFFFFF  }
0xc3: {  	_ =	task.clear_ibuf [dreg:s8], $0x2FFFF;
	_ =	strace $0x9FFFFFFF  }
0xc4: {  	(tm) =	ssettm $0x7FFFFFFF  }
0xc5: {  	_ =	shalt  }
tec
execute0_lowered:
.L_overlay_start_1:
0x0: {  	(tag) =	ssettag $0x1  }
0x1: {  	s0 =	srdreg.scid;
	s17 =	stileid.u32  }
0x2: {  	s1 =	sand.u32 $0x1, s0;
	s19 =	sshll.u32 s17, $0x1  }
0x3: {  	s0 =	sor.u32 s1, s19  }
0x4: {  	s4 =	rddreg [dreg:$0x0];
	s6 =	smul.u32 $0x320, s0  }
0x5: {  	s3 =	rddreg [dreg:$0x1];
	s2 =	simm.s32 $0x0;
	s7 =	smul.u32 $0x19000, s0  }
0x6: {  	[smem:$0x7FF] =	sst s2;
	s0 =	smul.u32 $0xC8000, s0  }
0x7: {  	s5 =	rddreg [dreg:$0x2];
	_ =	strace $0x80000047;
	s4 =	sadd.s32 s6, s4  }
0x8: {  	s30 =	sadd.s32 s5, s7;
	s0 =	sshrl.u32 s0, $0x3;
	s4 =	sadd.s32 $0x400, s4  }
0x9: {  	s20 =	sadd.s32 $0xC80, s30;
	s0 =	sadd.s32 s5, s0;
	[dreg:$0x4] =	wrdreg s4  }
0xa: {  	[dreg:$0x5] =	wrdreg s20;
	s21 =	sadd.s32 $0x1900, s0  }
0xb: {  	s22 =	sadd.s32 $0x2580, s0;
	[dreg:$0x6] =	wrdreg s21  }
0xc: {  	s23 =	sadd.s32 $0x3200, s0;
	[dreg:$0x7] =	wrdreg s22  }
0xd: {  	s24 =	sadd.s32 $0x3E80, s0;
	[dreg:$0x8] =	wrdreg s23  }
0xe: {  	s25 =	sadd.s32 $0x4B00, s0;
	[dreg:$0x9] =	wrdreg s24  }
0xf: {  	s26 =	sadd.s32 $0x5780, s0;
	[dreg:$0xa] =	wrdreg s25  }
0x10: {  	s5 =	sadd.s32 $0x6400, s0;
	[dreg:$0xb] =	wrdreg s26  }
0x11: {  	s6 =	sadd.s32 $0x7080, s0;
	[dreg:$0xc] =	wrdreg s5  }
0x12: {  	s7 =	sadd.s32 $0x7D00, s0;
	[dreg:$0xd] =	wrdreg s6  }
0x13: {  	s8 =	sadd.s32 $0x8980, s0;
	[dreg:$0xe] =	wrdreg s7  }
0x14: {  	s9 =	sadd.s32 $0x9600, s0;
	[dreg:$0xf] =	wrdreg s8  }
0x15: {  	s10 =	sadd.s32 $0xA280, s0;
	[dreg:$0x10] =	wrdreg s9  }
0x16: {  	s11 =	sadd.s32 $0xAF00, s0;
	[dreg:$0x11] =	wrdreg s10  }
0x17: {  	s12 =	sadd.s32 $0xBB80, s0;
	[dreg:$0x12] =	wrdreg s11  }
0x18: {  	s13 =	sadd.s32 $0xC800, s0;
	[dreg:$0x13] =	wrdreg s12  }
0x19: {  	s14 =	sadd.s32 $0xD480, s0;
	[dreg:$0x14] =	wrdreg s13  }
0x1a: {  	s15 =	sadd.s32 $0xE100, s0;
	[dreg:$0x15] =	wrdreg s14  }
0x1b: {  	s16 =	sadd.s32 $0xED80, s0;
	[dreg:$0x16] =	wrdreg s15  }
0x1c: {  	s18 =	sadd.s32 $0xFA00, s0;
	[dreg:$0x17] =	wrdreg s16  }
0x1d: {  	s19 =	sadd.s32 $0x10680, s0;
	[dreg:$0x18] =	wrdreg s18  }
0x1e: {  	s20 =	sadd.s32 $0x11300, s0;
	[dreg:$0x19] =	wrdreg s19  }
0x1f: {  	[dreg:$0x1a] =	wrdreg s20;
	s21 =	sadd.s32 $0x11F80, s0  }
0x20: {  	s22 =	sadd.s32 $0x12C00, s0;
	[dreg:$0x1b] =	wrdreg s21  }
0x21: {  	s23 =	sadd.s32 $0x13880, s0;
	[dreg:$0x1c] =	wrdreg s22  }
0x22: {  	s24 =	sadd.s32 $0x14500, s0;
	[dreg:$0x1d] =	wrdreg s23  }
0x23: {  	s25 =	sadd.s32 $0x15180, s0;
	[dreg:$0x1e] =	wrdreg s24  }
0x24: {  	s26 =	sadd.s32 $0x15E00, s0;
	[dreg:$0x1f] =	wrdreg s25  }
0x25: {  	s5 =	sadd.s32 $0x16A80, s0;
	[smem:$0x7E8] =	sst s26  }
0x26: {  	s31 =	simm.s32 $0x9;
	s6 =	sadd.s32 $0x17700, s0;
	[smem:$0x7E9] =	sst s5  }
0x27: {  	s29 =	simm.s32 $0x1068;
	s0 =	sadd.s32 $0x18380, s0;
	[smem:$0x7EA] =	sst s6  }
0x28: {  	s28 =	simm.s32 $0x1130;
	s7 =	simm.s32 $0x190;
	[smem:$0x7EB] =	sst s0  }
0x29: {  	p0 =	por $0x0, $0x0;
	s8 =	simm.s32 $0x258;
	[smem:$0x7EC] =	sst s7  }
0x2a: {  	s1 =	ssub.s32 $0x2, s1;
	s10 =	simm.s32 $0x320;
	[smem:$0x7ED] =	sst s8  }
0x2b: {  	s4 =	simm.s32 $0xC8;
	s11 =	simm.s32 $0x3E8;
	[smem:$0x7EE] =	sst s10  }
0x2c: {  	s9 =	sshrl.u32 s1, $0x1;
	s12 =	simm.s32 $0x4B0;
	[smem:$0x7EF] =	sst s11  }
0x2d: {  	s13 =	simm.s32 $0x578;
	s14 =	simm.s32 $0x640;
	[smem:$0x7F0] =	sst s12  }
0x2e: {  	s15 =	simm.s32 $0x708;
	s16 =	simm.s32 $0x7D0;
	[smem:$0x7F1] =	sst s13  }
0x2f: {  	s18 =	simm.s32 $0x898;
	s19 =	simm.s32 $0x960;
	[smem:$0x7F2] =	sst s14  }
0x30: {  	s20 =	simm.s32 $0xA28;
	s1 =	ssub.s32 s1, s9;
	[smem:$0x7F3] =	sst s15  }
0x31: {  	s8 =	simm.s32 $0x1900;
	s7 =	simm.s32 $0x7D00;
	[smem:$0x7F4] =	sst s16  }
0x32: {  	s15 =	simm.s32 $0x1;
	s5 =	simm.s32 $0xE100;
	[smem:$0x7F5] =	sst s18  }
0x33: {  	s14 =	simm.s32 $0x2;
	[smem:$0x7F6] =	sst s19;
	s6 =	simm.s32 $0x14500  }
0x34: {  	[smem:$0x7F7] =	sst s20;
	s21 =	simm.s32 $0xAF0;
	s9 =	simm.s32 $0x3  }
0x35: {  	s22 =	simm.s32 $0xBB8;
	s16 =	simm.s32 $0x5;
	s23 =	simm.s32 $0xC80  }
0x36: {  	s13 =	simm.s32 $0x4;
	s24 =	simm.s32 $0xD48;
	s0 =	rddreg [dreg:$0x4]  }
0x37: {  	s10 =	simm.s32 $0x6;
	s25 =	simm.s32 $0xE10;
	[smem:$0x7F8] =	sst s21  }
0x38: {  	s11 =	simm.s32 $0x7;
	s1 =	smax.u32 s1, $0x1;
	[smem:$0x7F9] =	sst s22  }
0x39: {  	s26 =	simm.s32 $0xED8;
	[smem:$0x7FA] =	sst s23;
	p1 =	sne.s32 s1, $0x1  }
.Ltmp0:
0x3a: {  	s12 =	simm.s32 $0x8;
	[smem:$0x7FB] =	sst s24;
	(pc) =	sbr.rel @!p1 .LBB2_1-.Ltmp0, $4  }
0x3b: {  	s20 =	simm.s32 $0x16A8;
	s19 =	simm.s32 $0x1770;
	[smem:$0x7FC] =	sst s25  }
0x3c: {  	s18 =	simm.s32 $0x1838;
	[smem:$0x7FD] =	sst s26;
	s26 =	simm.s32 $0x11F8  }
0x3d: {  	s25 =	simm.s32 $0x12C0;
	s24 =	simm.s32 $0x1388;
	s23 =	simm.s32 $0x1450  }
0x3e: {  	s22 =	simm.s32 $0x1518;
	s21 =	simm.s32 $0x15E0;
	s1 =	sadd.s32 $0xFFFFFFFF, s1  }
0x3f: {  	[tilespmem:s2], [sflag:$0x9] =	stream.linear.gather [hbm4b:s0+s2], $0x1900, $0x38;
	[tilespmem:$0x1A900] =	vst v63  }
0x40: {  	_ =	swait.ge [sflag:s31], $0x1900  }
0x41: {  	[sflag:s31] =	ssyncset.done $0x0  }
0x42: {  	[sflag:s31] =	ssyncadd.s32 $0xFFFFE700  }
0x43: {  	[tilespmem:s8], [sflag:$0x1] =	stream.indirect.gather [hbm4b:s3+s4], $0x80, s2, s4, $0xb8;
	[tilespmem:$0x1A900] =	vst v63  }
0x44: {  	_ = 	snop  }
0x45: {  	[tilespmem:s7], [sflag:$0x2] =	stream.indirect.gather [hbm4b:s3+s4], $0x80, s4, s4, $0xb8;
	[tilespmem:$0x1A900] =	vst v63  }
0x46: {  	_ =	swait.ge [sflag:s15], $0x6400  }
0x47: {  	[sflag:s15] =	ssyncset.done $0x0  }
0x48: {  	s17 =	sld [smem:$0x7EC];
	[sflag:s15] =	ssyncadd.s32 $0xFFFF9C00  }
0x49: {  	[hbm4b:s30+s2] =	stream.linear.scatter [tilespmem:s8], [sflag:$0x5], $0x6400, $0x38;
	[tilespmem:$0x1A900] =	vst v63  }
0x4a: {  	_ = 	snop  }
0x4b: {  	[tilespmem:s5], [sflag:$0x3] =	stream.indirect.gather [hbm4b:s3+s4], $0x80, s17, s4, $0xb8;
	[tilespmem:$0x1A900] =	vst v63  }
0x4c: {  	_ =	swait.ge [sflag:s14], $0x6400  }
0x4d: {  	s0 =	rddreg [dreg:$0x5];
	[sflag:s14] =	ssyncset.done $0x0  }
0x4e: {  	s17 =	smov.u32 s1;
	s1 =	sld [smem:$0x7ED];
	[sflag:s14] =	ssyncadd.s32 $0xFFFF9C00  }
0x4f: {  	[hbm4b:s0+s2] =	stream.linear.scatter [tilespmem:s7], [sflag:$0x6], $0x6400, $0x38;
	[tilespmem:$0x1A900] =	vst v63  }
0x50: {  	_ = 	snop  }
0x51: {  	[tilespmem:s6], [sflag:$0x4] =	stream.indirect.gather [hbm4b:s3+s4], $0x80, s1, s4, $0xb8;
	[tilespmem:$0x1A900] =	vst v63  }
0x52: {  	_ =	swait.ge [sflag:s9], $0x6400  }
0x53: {  	[sflag:s9] =	ssyncset.done $0x0  }
0x54: {  	s1 =	rddreg [dreg:$0x6];
	[sflag:s9] =	ssyncadd.s32 $0xFFFF9C00  }
0x55: {  	[hbm4b:s1+s2] =	stream.linear.scatter [tilespmem:s5], [sflag:$0x7], $0x6400, $0x38;
	[tilespmem:$0x1A900] =	vst v63  }
0x56: {  	_ =	swait.ge [sflag:s16], $0x6400  }
0x57: {  	s1 =	sld [smem:$0x7EE]  }
0x58: {  	[sflag:s16] =	ssyncset.done $0x0  }
0x59: {  	[sflag:s16] =	ssyncadd.s32 $0xFFFF9C00  }
0x5a: {  	[tilespmem:s8], [sflag:$0x1] =	stream.indirect.gather [hbm4b:s3+s4], $0x80, s1, s4, $0xb8;
	[tilespmem:$0x1A900] =	vst v63  }
0x5b: {  	_ =	swait.ge [sflag:s13], $0x6400  }
0x5c: {  	[sflag:s13] =	ssyncset.done $0x0  }
0x5d: {  	s1 =	rddreg [dreg:$0x7];
	[sflag:s13] =	ssyncadd.s32 $0xFFFF9C00  }
0x5e: {  	[hbm4b:s1+s2] =	stream.linear.scatter [tilespmem:s6], [sflag:$0x8], $0x6400, $0x38;
	[tilespmem:$0x1A900] =	vst v63  }
0x5f: {  	_ =	swait.ge [sflag:s10], $0x6400  }
0x60: {  	s1 =	sld [smem:$0x7EF]  }
0x61: {  	[sflag:s10] =	ssyncset.done $0x0  }
0x62: {  	[sflag:s10] =	ssyncadd.s32 $0xFFFF9C00  }
0x63: {  	[tilespmem:s7], [sflag:$0x2] =	stream.indirect.gather [hbm4b:s3+s4], $0x80, s1, s4, $0xb8;
	[tilespmem:$0x1A900] =	vst v63  }
0x64: {  	_ =	swait.ge [sflag:s15], $0x6400  }
0x65: {  	[sflag:s15] =	ssyncset.done $0x0  }
0x66: {  	s1 =	rddreg [dreg:$0x8];
	[sflag:s15] =	ssyncadd.s32 $0xFFFF9C00  }
0x67: {  	[hbm4b:s1+s2] =	stream.linear.scatter [tilespmem:s8], [sflag:$0x5], $0x6400, $0x38;
	[tilespmem:$0x1A900] =	vst v63  }
0x68: {  	_ =	swait.ge [sflag:s11], $0x6400  }
0x69: {  	s1 =	sld [smem:$0x7F0]  }
0x6a: {  	[sflag:s11] =	ssyncset.done $0x0  }
0x6b: {  	[sflag:s11] =	ssyncadd.s32 $0xFFFF9C00  }
0x6c: {  	[tilespmem:s5], [sflag:$0x3] =	stream.indirect.gather [hbm4b:s3+s4], $0x80, s1, s4, $0xb8;
	[tilespmem:$0x1A900] =	vst v63  }
0x6d: {  	_ =	swait.ge [sflag:s14], $0x6400  }
0x6e: {  	[sflag:s14] =	ssyncset.done $0x0  }
0x6f: {  	s1 =	rddreg [dreg:$0x9];
	[sflag:s14] =	ssyncadd.s32 $0xFFFF9C00  }
0x70: {  	[hbm4b:s1+s2] =	stream.linear.scatter [tilespmem:s7], [sflag:$0x6], $0x6400, $0x38;
	[tilespmem:$0x1A900] =	vst v63  }
0x71: {  	_ =	swait.ge [sflag:s12], $0x6400  }
0x72: {  	s1 =	sld [smem:$0x7F1]  }
0x73: {  	[sflag:s12] =	ssyncset.done $0x0  }
0x74: {  	[sflag:s12] =	ssyncadd.s32 $0xFFFF9C00  }
0x75: {  	[tilespmem:s6], [sflag:$0x4] =	stream.indirect.gather [hbm4b:s3+s4], $0x80, s1, s4, $0xb8;
	[tilespmem:$0x1A900] =	vst v63  }
0x76: {  	_ =	swait.ge [sflag:s9], $0x6400  }
0x77: {  	[sflag:s9] =	ssyncset.done $0x0  }
0x78: {  	s1 =	rddreg [dreg:$0xa];
	[sflag:s9] =	ssyncadd.s32 $0xFFFF9C00  }
0x79: {  	[hbm4b:s1+s2] =	stream.linear.scatter [tilespmem:s5], [sflag:$0x7], $0x6400, $0x38;
	[tilespmem:$0x1A900] =	vst v63  }
0x7a: {  	_ =	swait.ge [sflag:s16], $0x6400  }
0x7b: {  	s1 =	sld [smem:$0x7F2]  }
0x7c: {  	[sflag:s16] =	ssyncset.done $0x0  }
0x7d: {  	[sflag:s16] =	ssyncadd.s32 $0xFFFF9C00  }
0x7e: {  	[tilespmem:s8], [sflag:$0x1] =	stream.indirect.gather [hbm4b:s3+s4], $0x80, s1, s4, $0xb8;
	[tilespmem:$0x1A900] =	vst v63  }
0x7f: {  	_ =	swait.ge [sflag:s13], $0x6400  }
0x80: {  	[sflag:s13] =	ssyncset.done $0x0  }
0x81: {  	s1 =	rddreg [dreg:$0xb];
	[sflag:s13] =	ssyncadd.s32 $0xFFFF9C00  }
0x82: {  	[hbm4b:s1+s2] =	stream.linear.scatter [tilespmem:s6], [sflag:$0x8], $0x6400, $0x38;
	[tilespmem:$0x1A900] =	vst v63  }
0x83: {  	_ =	swait.ge [sflag:s10], $0x6400  }
0x84: {  	s1 =	sld [smem:$0x7F3]  }
0x85: {  	[sflag:s10] =	ssyncset.done $0x0  }
0x86: {  	[sflag:s10] =	ssyncadd.s32 $0xFFFF9C00  }
0x87: {  	[tilespmem:s7], [sflag:$0x2] =	stream.indirect.gather [hbm4b:s3+s4], $0x80, s1, s4, $0xb8;
	[tilespmem:$0x1A900] =	vst v63  }
0x88: {  	_ =	swait.ge [sflag:s15], $0x6400  }
0x89: {  	[sflag:s15] =	ssyncset.done $0x0  }
0x8a: {  	s1 =	rddreg [dreg:$0xc];
	[sflag:s15] =	ssyncadd.s32 $0xFFFF9C00  }
0x8b: {  	[hbm4b:s1+s2] =	stream.linear.scatter [tilespmem:s8], [sflag:$0x5], $0x6400, $0x38;
	[tilespmem:$0x1A900] =	vst v63  }
0x8c: {  	_ =	swait.ge [sflag:s11], $0x6400  }
0x8d: {  	s1 =	sld [smem:$0x7F4]  }
0x8e: {  	[sflag:s11] =	ssyncset.done $0x0  }
0x8f: {  	[sflag:s11] =	ssyncadd.s32 $0xFFFF9C00  }
0x90: {  	[tilespmem:s5], [sflag:$0x3] =	stream.indirect.gather [hbm4b:s3+s4], $0x80, s1, s4, $0xb8;
	[tilespmem:$0x1A900] =	vst v63  }
0x91: {  	_ =	swait.ge [sflag:s14], $0x6400  }
0x92: {  	[sflag:s14] =	ssyncset.done $0x0  }
0x93: {  	s1 =	rddreg [dreg:$0xd];
	[sflag:s14] =	ssyncadd.s32 $0xFFFF9C00  }
0x94: {  	[hbm4b:s1+s2] =	stream.linear.scatter [tilespmem:s7], [sflag:$0x6], $0x6400, $0x38;
	[tilespmem:$0x1A900] =	vst v63  }
0x95: {  	_ =	swait.ge [sflag:s12], $0x6400  }
0x96: {  	s1 =	sld [smem:$0x7F5]  }
0x97: {  	[sflag:s12] =	ssyncset.done $0x0  }
0x98: {  	[sflag:s12] =	ssyncadd.s32 $0xFFFF9C00  }
0x99: {  	[tilespmem:s6], [sflag:$0x4] =	stream.indirect.gather [hbm4b:s3+s4], $0x80, s1, s4, $0xb8;
	[tilespmem:$0x1A900] =	vst v63  }
0x9a: {  	_ =	swait.ge [sflag:s9], $0x6400  }
0x9b: {  	[sflag:s9] =	ssyncset.done $0x0  }
0x9c: {  	s1 =	rddreg [dreg:$0xe];
	[sflag:s9] =	ssyncadd.s32 $0xFFFF9C00  }
0x9d: {  	[hbm4b:s1+s2] =	stream.linear.scatter [tilespmem:s5], [sflag:$0x7], $0x6400, $0x38;
	[tilespmem:$0x1A900] =	vst v63  }
0x9e: {  	_ =	swait.ge [sflag:s16], $0x6400  }
0x9f: {  	s1 =	sld [smem:$0x7F6]  }
0xa0: {  	[sflag:s16] =	ssyncset.done $0x0  }
0xa1: {  	[sflag:s16] =	ssyncadd.s32 $0xFFFF9C00  }
0xa2: {  	[tilespmem:s8], [sflag:$0x1] =	stream.indirect.gather [hbm4b:s3+s4], $0x80, s1, s4, $0xb8;
	[tilespmem:$0x1A900] =	vst v63  }
0xa3: {  	_ =	swait.ge [sflag:s13], $0x6400  }
0xa4: {  	[sflag:s13] =	ssyncset.done $0x0  }
0xa5: {  	s1 =	rddreg [dreg:$0xf];
	[sflag:s13] =	ssyncadd.s32 $0xFFFF9C00  }
0xa6: {  	[hbm4b:s1+s2] =	stream.linear.scatter [tilespmem:s6], [sflag:$0x8], $0x6400, $0x38;
	[tilespmem:$0x1A900] =	vst v63  }
0xa7: {  	_ =	swait.ge [sflag:s10], $0x6400  }
0xa8: {  	s1 =	sld [smem:$0x7F7]  }
0xa9: {  	[sflag:s10] =	ssyncset.done $0x0  }
0xaa: {  	[sflag:s10] =	ssyncadd.s32 $0xFFFF9C00  }
0xab: {  	[tilespmem:s7], [sflag:$0x2] =	stream.indirect.gather [hbm4b:s3+s4], $0x80, s1, s4, $0xb8;
	[tilespmem:$0x1A900] =	vst v63  }
0xac: {  	_ =	swait.ge [sflag:s15], $0x6400  }
0xad: {  	[sflag:s15] =	ssyncset.done $0x0  }
0xae: {  	s1 =	rddreg [dreg:$0x10];
	[sflag:s15] =	ssyncadd.s32 $0xFFFF9C00  }
0xaf: {  	[hbm4b:s1+s2] =	stream.linear.scatter [tilespmem:s8], [sflag:$0x5], $0x6400, $0x38;
	[tilespmem:$0x1A900] =	vst v63  }
0xb0: {  	_ =	swait.ge [sflag:s11], $0x6400  }
0xb1: {  	s1 =	sld [smem:$0x7F8]  }
0xb2: {  	[sflag:s11] =	ssyncset.done $0x0  }
0xb3: {  	[sflag:s11] =	ssyncadd.s32 $0xFFFF9C00  }
0xb4: {  	[tilespmem:s5], [sflag:$0x3] =	stream.indirect.gather [hbm4b:s3+s4], $0x80, s1, s4, $0xb8;
	[tilespmem:$0x1A900] =	vst v63  }
0xb5: {  	_ =	swait.ge [sflag:s14], $0x6400  }
0xb6: {  	[sflag:s14] =	ssyncset.done $0x0  }
0xb7: {  	s1 =	rddreg [dreg:$0x11];
	[sflag:s14] =	ssyncadd.s32 $0xFFFF9C00  }
0xb8: {  	[hbm4b:s1+s2] =	stream.linear.scatter [tilespmem:s7], [sflag:$0x6], $0x6400, $0x38;
	[tilespmem:$0x1A900] =	vst v63  }
0xb9: {  	_ =	swait.ge [sflag:s12], $0x6400  }
0xba: {  	s1 =	sld [smem:$0x7F9]  }
0xbb: {  	[sflag:s12] =	ssyncset.done $0x0  }
0xbc: {  	[sflag:s12] =	ssyncadd.s32 $0xFFFF9C00  }
0xbd: {  	[tilespmem:s6], [sflag:$0x4] =	stream.indirect.gather [hbm4b:s3+s4], $0x80, s1, s4, $0xb8;
	[tilespmem:$0x1A900] =	vst v63  }
0xbe: {  	_ =	swait.ge [sflag:s9], $0x6400  }
0xbf: {  	[sflag:s9] =	ssyncset.done $0x0  }
0xc0: {  	s1 =	rddreg [dreg:$0x12];
	[sflag:s9] =	ssyncadd.s32 $0xFFFF9C00  }
0xc1: {  	[hbm4b:s1+s2] =	stream.linear.scatter [tilespmem:s5], [sflag:$0x7], $0x6400, $0x38;
	[tilespmem:$0x1A900] =	vst v63  }
0xc2: {  	_ =	swait.ge [sflag:s16], $0x6400  }
0xc3: {  	s1 =	sld [smem:$0x7FA]  }
0xc4: {  	[sflag:s16] =	ssyncset.done $0x0  }
0xc5: {  	[sflag:s16] =	ssyncadd.s32 $0xFFFF9C00  }
0xc6: {  	[tilespmem:s8], [sflag:$0x1] =	stream.indirect.gather [hbm4b:s3+s4], $0x80, s1, s4, $0xb8;
	[tilespmem:$0x1A900] =	vst v63  }
0xc7: {  	_ =	swait.ge [sflag:s13], $0x6400  }
0xc8: {  	[sflag:s13] =	ssyncset.done $0x0  }
0xc9: {  	s1 =	rddreg [dreg:$0x13];
	[sflag:s13] =	ssyncadd.s32 $0xFFFF9C00  }
0xca: {  	[hbm4b:s1+s2] =	stream.linear.scatter [tilespmem:s6], [sflag:$0x8], $0x6400, $0x38;
	[tilespmem:$0x1A900] =	vst v63  }
0xcb: {  	_ =	swait.ge [sflag:s10], $0x6400  }
0xcc: {  	s1 =	sld [smem:$0x7FB]  }
0xcd: {  	[sflag:s10] =	ssyncset.done $0x0  }
0xce: {  	[sflag:s10] =	ssyncadd.s32 $0xFFFF9C00  }
0xcf: {  	[tilespmem:s7], [sflag:$0x2] =	stream.indirect.gather [hbm4b:s3+s4], $0x80, s1, s4, $0xb8;
	[tilespmem:$0x1A900] =	vst v63  }
0xd0: {  	_ =	swait.ge [sflag:s15], $0x6400  }
0xd1: {  	[sflag:s15] =	ssyncset.done $0x0  }
0xd2: {  	s1 =	rddreg [dreg:$0x14];
	[sflag:s15] =	ssyncadd.s32 $0xFFFF9C00  }
0xd3: {  	[hbm4b:s1+s2] =	stream.linear.scatter [tilespmem:s8], [sflag:$0x5], $0x6400, $0x38;
	[tilespmem:$0x1A900] =	vst v63  }
0xd4: {  	_ =	swait.ge [sflag:s11], $0x6400  }
0xd5: {  	s1 =	sld [smem:$0x7FC]  }
0xd6: {  	[sflag:s11] =	ssyncset.done $0x0  }
0xd7: {  	[sflag:s11] =	ssyncadd.s32 $0xFFFF9C00  }
0xd8: {  	[tilespmem:s5], [sflag:$0x3] =	stream.indirect.gather [hbm4b:s3+s4], $0x80, s1, s4, $0xb8;
	[tilespmem:$0x1A900] =	vst v63  }
0xd9: {  	_ =	swait.ge [sflag:s14], $0x6400  }
0xda: {  	[sflag:s14] =	ssyncset.done $0x0  }
0xdb: {  	s1 =	rddreg [dreg:$0x15];
	[sflag:s14] =	ssyncadd.s32 $0xFFFF9C00  }
0xdc: {  	[hbm4b:s1+s2] =	stream.linear.scatter [tilespmem:s7], [sflag:$0x6], $0x6400, $0x38;
	[tilespmem:$0x1A900] =	vst v63  }
0xdd: {  	_ =	swait.ge [sflag:s12], $0x6400  }
0xde: {  	s1 =	sld [smem:$0x7FD]  }
0xdf: {  	[sflag:s12] =	ssyncset.done $0x0  }
0xe0: {  	[sflag:s12] =	ssyncadd.s32 $0xFFFF9C00  }
0xe1: {  	[tilespmem:s6], [sflag:$0x4] =	stream.indirect.gather [hbm4b:s3+s4], $0x80, s1, s4, $0xb8;
	[tilespmem:$0x1A900] =	vst v63  }
0xe2: {  	_ =	swait.ge [sflag:s9], $0x6400  }
0xe3: {  	[sflag:s9] =	ssyncset.done $0x0  }
0xe4: {  	s1 =	rddreg [dreg:$0x16];
	[sflag:s9] =	ssyncadd.s32 $0xFFFF9C00  }
0xe5: {  	[hbm4b:s1+s2] =	stream.linear.scatter [tilespmem:s5], [sflag:$0x7], $0x6400, $0x38;
	[tilespmem:$0x1A900] =	vst v63  }
0xe6: {  	_ =	swait.ge [sflag:s16], $0x6400  }
0xe7: {  	[sflag:s16] =	ssyncset.done $0x0  }
0xe8: {  	s1 =	simm.s32 $0xFA0;
	[sflag:s16] =	ssyncadd.s32 $0xFFFF9C00  }
0xe9: {  	[tilespmem:s8], [sflag:$0x1] =	stream.indirect.gather [hbm4b:s3+s4], $0x80, s1, s4, $0xb8;
	[tilespmem:$0x1A900] =	vst v63  }
0xea: {  	_ =	swait.ge [sflag:s13], $0x6400  }
0xeb: {  	[sflag:s13] =	ssyncset.done $0x0  }
0xec: {  	s1 =	rddreg [dreg:$0x17];
	[sflag:s13] =	ssyncadd.s32 $0xFFFF9C00  }
0xed: {  	[hbm4b:s1+s2] =	stream.linear.scatter [tilespmem:s6], [sflag:$0x8], $0x6400, $0x38;
	[tilespmem:$0x1A900] =	vst v63  }
0xee: {  	_ =	swait.ge [sflag:s10], $0x6400  }
0xef: {  	[sflag:s10] =	ssyncset.done $0x0  }
0xf0: {  	[sflag:s10] =	ssyncadd.s32 $0xFFFF9C00  }
0xf1: {  	[tilespmem:s7], [sflag:$0x2] =	stream.indirect.gather [hbm4b:s3+s4], $0x80, s29, s4, $0xb8;
	[tilespmem:$0x1A900] =	vst v63  }
0xf2: {  	_ =	swait.ge [sflag:s15], $0x6400  }
0xf3: {  	[sflag:s15] =	ssyncset.done $0x0  }
0xf4: {  	s1 =	rddreg [dreg:$0x18];
	[sflag:s15] =	ssyncadd.s32 $0xFFFF9C00  }
0xf5: {  	[hbm4b:s1+s2] =	stream.linear.scatter [tilespmem:s8], [sflag:$0x5], $0x6400, $0x38;
	[tilespmem:$0x1A900] =	vst v63  }
0xf6: {  	_ =	swait.ge [sflag:s11], $0x6400  }
0xf7: {  	[sflag:s11] =	ssyncset.done $0x0  }
0xf8: {  	[sflag:s11] =	ssyncadd.s32 $0xFFFF9C00  }
0xf9: {  	[tilespmem:s5], [sflag:$0x3] =	stream.indirect.gather [hbm4b:s3+s4], $0x80, s28, s4, $0xb8;
	[tilespmem:$0x1A900] =	vst v63  }
0xfa: {  	_ =	swait.ge [sflag:s14], $0x6400  }
0xfb: {  	[sflag:s14] =	ssyncset.done $0x0  }
0xfc: {  	s1 =	rddreg [dreg:$0x19];
	[sflag:s14] =	ssyncadd.s32 $0xFFFF9C00  }
0xfd: {  	[hbm4b:s1+s2] =	stream.linear.scatter [tilespmem:s7], [sflag:$0x6], $0x6400, $0x38;
	[tilespmem:$0x1A900] =	vst v63  }
0xfe: {  	_ =	swait.ge [sflag:s12], $0x6400  }
0xff: {  	[sflag:s12] =	ssyncset.done $0x0  }
0x100: {  	[sflag:s12] =	ssyncadd.s32 $0xFFFF9C00  }
0x101: {  	[tilespmem:s6], [sflag:$0x4] =	stream.indirect.gather [hbm4b:s3+s4], $0x80, s26, s4, $0xb8;
	[tilespmem:$0x1A900] =	vst v63  }
0x102: {  	_ =	swait.ge [sflag:s9], $0x6400  }
0x103: {  	[sflag:s9] =	ssyncset.done $0x0  }
0x104: {  	s1 =	rddreg [dreg:$0x1a];
	[sflag:s9] =	ssyncadd.s32 $0xFFFF9C00  }
0x105: {  	[hbm4b:s1+s2] =	stream.linear.scatter [tilespmem:s5], [sflag:$0x7], $0x6400, $0x38;
	[tilespmem:$0x1A900] =	vst v63  }
0x106: {  	_ =	swait.ge [sflag:s16], $0x6400  }
0x107: {  	[sflag:s16] =	ssyncset.done $0x0  }
0x108: {  	[sflag:s16] =	ssyncadd.s32 $0xFFFF9C00  }
0x109: {  	[tilespmem:s8], [sflag:$0x1] =	stream.indirect.gather [hbm4b:s3+s4], $0x80, s25, s4, $0xb8;
	[tilespmem:$0x1A900] =	vst v63  }
0x10a: {  	_ =	swait.ge [sflag:s13], $0x6400  }
0x10b: {  	[sflag:s13] =	ssyncset.done $0x0  }
0x10c: {  	s1 =	rddreg [dreg:$0x1b];
	[sflag:s13] =	ssyncadd.s32 $0xFFFF9C00  }
0x10d: {  	[hbm4b:s1+s2] =	stream.linear.scatter [tilespmem:s6], [sflag:$0x8], $0x6400, $0x38;
	[tilespmem:$0x1A900] =	vst v63  }
0x10e: {  	_ =	swait.ge [sflag:s10], $0x6400  }
0x10f: {  	[sflag:s10] =	ssyncset.done $0x0  }
0x110: {  	[sflag:s10] =	ssyncadd.s32 $0xFFFF9C00  }
0x111: {  	[tilespmem:s7], [sflag:$0x2] =	stream.indirect.gather [hbm4b:s3+s4], $0x80, s24, s4, $0xb8;
	[tilespmem:$0x1A900] =	vst v63  }
0x112: {  	_ =	swait.ge [sflag:s15], $0x6400  }
0x113: {  	[sflag:s15] =	ssyncset.done $0x0  }
0x114: {  	s1 =	rddreg [dreg:$0x1c];
	[sflag:s15] =	ssyncadd.s32 $0xFFFF9C00  }
0x115: {  	[hbm4b:s1+s2] =	stream.linear.scatter [tilespmem:s8], [sflag:$0x5], $0x6400, $0x38;
	[tilespmem:$0x1A900] =	vst v63  }
0x116: {  	_ =	swait.ge [sflag:s11], $0x6400  }
0x117: {  	[sflag:s11] =	ssyncset.done $0x0  }
0x118: {  	[sflag:s11] =	ssyncadd.s32 $0xFFFF9C00  }
0x119: {  	[tilespmem:s5], [sflag:$0x3] =	stream.indirect.gather [hbm4b:s3+s4], $0x80, s23, s4, $0xb8;
	[tilespmem:$0x1A900] =	vst v63  }
0x11a: {  	_ =	swait.ge [sflag:s14], $0x6400  }
0x11b: {  	[sflag:s14] =	ssyncset.done $0x0  }
0x11c: {  	s1 =	rddreg [dreg:$0x1d];
	[sflag:s14] =	ssyncadd.s32 $0xFFFF9C00  }
0x11d: {  	[hbm4b:s1+s2] =	stream.linear.scatter [tilespmem:s7], [sflag:$0x6], $0x6400, $0x38;
	[tilespmem:$0x1A900] =	vst v63  }
0x11e: {  	_ =	swait.ge [sflag:s12], $0x6400  }
0x11f: {  	[sflag:s12] =	ssyncset.done $0x0  }
0x120: {  	[sflag:s12] =	ssyncadd.s32 $0xFFFF9C00  }
0x121: {  	[tilespmem:s6], [sflag:$0x4] =	stream.indirect.gather [hbm4b:s3+s4], $0x80, s22, s4, $0xb8;
	[tilespmem:$0x1A900] =	vst v63  }
0x122: {  	_ =	swait.ge [sflag:s9], $0x6400  }
0x123: {  	[sflag:s9] =	ssyncset.done $0x0  }
0x124: {  	s1 =	rddreg [dreg:$0x1e];
	[sflag:s9] =	ssyncadd.s32 $0xFFFF9C00  }
0x125: {  	[hbm4b:s1+s2] =	stream.linear.scatter [tilespmem:s5], [sflag:$0x7], $0x6400, $0x38;
	[tilespmem:$0x1A900] =	vst v63  }
0x126: {  	_ =	swait.ge [sflag:s16], $0x6400  }
0x127: {  	[sflag:s16] =	ssyncset.done $0x0  }
0x128: {  	[sflag:s16] =	ssyncadd.s32 $0xFFFF9C00  }
0x129: {  	[tilespmem:s8], [sflag:$0x1] =	stream.indirect.gather [hbm4b:s3+s4], $0x80, s21, s4, $0xb8;
	[tilespmem:$0x1A900] =	vst v63  }
0x12a: {  	_ =	swait.ge [sflag:s13], $0x6400  }
0x12b: {  	[sflag:s13] =	ssyncset.done $0x0  }
0x12c: {  	s1 =	rddreg [dreg:$0x1f];
	[sflag:s13] =	ssyncadd.s32 $0xFFFF9C00  }
0x12d: {  	[hbm4b:s1+s2] =	stream.linear.scatter [tilespmem:s6], [sflag:$0x8], $0x6400, $0x38;
	[tilespmem:$0x1A900] =	vst v63  }
0x12e: {  	_ =	swait.ge [sflag:s10], $0x6400  }
0x12f: {  	[sflag:s10] =	ssyncset.done $0x0  }
0x130: {  	[sflag:s10] =	ssyncadd.s32 $0xFFFF9C00  }
0x131: {  	[tilespmem:s7], [sflag:$0x2] =	stream.indirect.gather [hbm4b:s3+s4], $0x80, s20, s4, $0xb8;
	[tilespmem:$0x1A900] =	vst v63  }
0x132: {  	_ =	swait.ge [sflag:s15], $0x6400  }
0x133: {  	s1 =	sld [smem:$0x7E8]  }
0x134: {  	[sflag:s15] =	ssyncset.done $0x0  }
0x135: {  	[sflag:s15] =	ssyncadd.s32 $0xFFFF9C00  }
0x136: {  	[hbm4b:s1+s2] =	stream.linear.scatter [tilespmem:s8], [sflag:$0x5], $0x6400, $0x38;
	[tilespmem:$0x1A900] =	vst v63  }
0x137: {  	_ =	swait.ge [sflag:s11], $0x6400  }
0x138: {  	[sflag:s11] =	ssyncset.done $0x0  }
0x139: {  	[sflag:s11] =	ssyncadd.s32 $0xFFFF9C00  }
0x13a: {  	[tilespmem:s5], [sflag:$0x3] =	stream.indirect.gather [hbm4b:s3+s4], $0x80, s19, s4, $0xb8;
	[tilespmem:$0x1A900] =	vst v63  }
0x13b: {  	_ =	swait.ge [sflag:s14], $0x6400  }
0x13c: {  	s1 =	sld [smem:$0x7E9]  }
0x13d: {  	[sflag:s14] =	ssyncset.done $0x0  }
0x13e: {  	[sflag:s14] =	ssyncadd.s32 $0xFFFF9C00  }
0x13f: {  	[hbm4b:s1+s2] =	stream.linear.scatter [tilespmem:s7], [sflag:$0x6], $0x6400, $0x38;
	[tilespmem:$0x1A900] =	vst v63  }
0x140: {  	_ =	swait.ge [sflag:s12], $0x6400  }
0x141: {  	[sflag:s12] =	ssyncset.done $0x0  }
0x142: {  	[sflag:s12] =	ssyncadd.s32 $0xFFFF9C00  }
0x143: {  	[tilespmem:s6], [sflag:$0x4] =	stream.indirect.gather [hbm4b:s3+s4], $0x80, s18, s4, $0xb8;
	[tilespmem:$0x1A900] =	vst v63  }
0x144: {  	_ =	swait.ge [sflag:s9], $0x6400  }
0x145: {  	s1 =	sld [smem:$0x7EA]  }
0x146: {  	[sflag:s9] =	ssyncset.done $0x0  }
0x147: {  	[sflag:s9] =	ssyncadd.s32 $0xFFFF9C00  }
0x148: {  	[hbm4b:s1+s2] =	stream.linear.scatter [tilespmem:s5], [sflag:$0x7], $0x6400, $0x38;
	[tilespmem:$0x1A900] =	vst v63  }
0x149: {  	_ =	swait.ge [sflag:s13], $0x6400  }
0x14a: {  	s1 =	sld [smem:$0x7EB]  }
0x14b: {  	[sflag:s13] =	ssyncset.done $0x0  }
0x14c: {  	[sflag:s13] =	ssyncadd.s32 $0xFFFF9C00  }
0x14d: {  	[hbm4b:s1+s2] =	stream.linear.scatter [tilespmem:s6], [sflag:$0x8], $0x6400, $0x38;
	[tilespmem:$0x1A900] =	vst v63  }
0x14e: {  	_ =	swait.ge [sflag:s10], $0x6400  }
0x14f: {  	[sflag:s10] =	ssyncset.done $0x0  }
0x150: {  	p1 =	sne.s32 s17, $0x1;
	[sflag:s10] =	ssyncadd.s32 $0xFFFF9C00  }
.Ltmp1:
0x151: {  	_ =	swait.ge [sflag:s11], $0x6400;
	(pc) =	sbr.rel @!p1 .LBB2_3-.Ltmp1, $4  }
0x152: {  	[sflag:s11] =	ssyncset.done $0x0  }
0x153: {  	[sflag:s11] =	ssyncadd.s32 $0xFFFF9C00  }
0x154: {  	p0 =	por $0x1, $0x1;
	_ =	swait.ge [sflag:s12], $0x6400  }
0x155: {  	s1 =	sadd.s32 $0xFFFFFFFF, s17;
	s0 =	rddreg [dreg:$0x4];
	[sflag:s12] =	ssyncset.done $0x0  }
.LBB2_4:
0x156: {  	[sflag:s12] =	ssyncadd.s32 $0xFFFF9C00  }
0x157: {  	[tilespmem:s2], [sflag:$0x9] =	stream.linear.gather [hbm4b:s0+s2], $0x1900, $0x38;
	[tilespmem:$0x1A900] =	vst v63  }
0x158: {  	_ =	swait.ge [sflag:s31], $0x1900  }
0x159: {  	[sflag:s31] =	ssyncset.done $0x0  }
0x15a: {  	[sflag:s31] =	ssyncadd.s32 $0xFFFFE700  }
0x15b: {  	[tilespmem:s8], [sflag:$0x1] =	stream.indirect.gather [hbm4b:s3+s4], $0x80, s2, s4, $0xb8;
	[tilespmem:$0x1A900] =	vst v63  }
0x15c: {  	_ = 	snop  }
0x15d: {  	[tilespmem:s7], [sflag:$0x2] =	stream.indirect.gather [hbm4b:s3+s4], $0x80, s4, s4, $0xb8;
	[tilespmem:$0x1A900] =	vst v63  }
0x15e: {  	_ =	swait.ge [sflag:s15], $0x6400  }
0x15f: {  	[sflag:s15] =	ssyncset.done $0x0  }
0x160: {  	s17 =	sld [smem:$0x7EC];
	[sflag:s15] =	ssyncadd.s32 $0xFFFF9C00  }
0x161: {  	[hbm4b:s30+s2] =	stream.linear.scatter [tilespmem:s8], [sflag:$0x5], $0x6400, $0x38;
	[tilespmem:$0x1A900] =	vst v63  }
0x162: {  	_ = 	snop  }
0x163: {  	[tilespmem:s5], [sflag:$0x3] =	stream.indirect.gather [hbm4b:s3+s4], $0x80, s17, s4, $0xb8;
	[tilespmem:$0x1A900] =	vst v63  }
0x164: {  	_ =	swait.ge [sflag:s14], $0x6400  }
0x165: {  	s0 =	rddreg [dreg:$0x5];
	[sflag:s14] =	ssyncset.done $0x0  }
0x166: {  	s17 =	sld [smem:$0x7ED];
	[sflag:s14] =	ssyncadd.s32 $0xFFFF9C00  }
0x167: {  	[hbm4b:s0+s2] =	stream.linear.scatter [tilespmem:s7], [sflag:$0x6], $0x6400, $0x38;
	[tilespmem:$0x1A900] =	vst v63  }
0x168: {  	_ = 	snop  }
0x169: {  	[tilespmem:s6], [sflag:$0x4] =	stream.indirect.gather [hbm4b:s3+s4], $0x80, s17, s4, $0xb8;
	[tilespmem:$0x1A900] =	vst v63  }
0x16a: {  	_ =	swait.ge [sflag:s9], $0x6400  }
0x16b: {  	[sflag:s9] =	ssyncset.done $0x0  }
0x16c: {  	s17 =	rddreg [dreg:$0x6];
	[sflag:s9] =	ssyncadd.s32 $0xFFFF9C00  }
0x16d: {  	[hbm4b:s17+s2] =	stream.linear.scatter [tilespmem:s5], [sflag:$0x7], $0x6400, $0x38;
	[tilespmem:$0x1A900] =	vst v63  }
0x16e: {  	_ =	swait.ge [sflag:s16], $0x6400  }
0x16f: {  	s17 =	sld [smem:$0x7EE]  }
0x170: {  	[sflag:s16] =	ssyncset.done $0x0  }
0x171: {  	[sflag:s16] =	ssyncadd.s32 $0xFFFF9C00  }
0x172: {  	[tilespmem:s8], [sflag:$0x1] =	stream.indirect.gather [hbm4b:s3+s4], $0x80, s17, s4, $0xb8;
	[tilespmem:$0x1A900] =	vst v63  }
0x173: {  	_ =	swait.ge [sflag:s13], $0x6400  }
0x174: {  	[sflag:s13] =	ssyncset.done $0x0  }
0x175: {  	s17 =	rddreg [dreg:$0x7];
	[sflag:s13] =	ssyncadd.s32 $0xFFFF9C00  }
0x176: {  	[hbm4b:s17+s2] =	stream.linear.scatter [tilespmem:s6], [sflag:$0x8], $0x6400, $0x38;
	[tilespmem:$0x1A900] =	vst v63  }
0x177: {  	_ =	swait.ge [sflag:s10], $0x6400  }
0x178: {  	s17 =	sld [smem:$0x7EF]  }
0x179: {  	[sflag:s10] =	ssyncset.done $0x0  }
0x17a: {  	[sflag:s10] =	ssyncadd.s32 $0xFFFF9C00  }
0x17b: {  	[tilespmem:s7], [sflag:$0x2] =	stream.indirect.gather [hbm4b:s3+s4], $0x80, s17, s4, $0xb8;
	[tilespmem:$0x1A900] =	vst v63  }
0x17c: {  	_ =	swait.ge [sflag:s15], $0x6400  }
0x17d: {  	[sflag:s15] =	ssyncset.done $0x0  }
0x17e: {  	s17 =	rddreg [dreg:$0x8];
	[sflag:s15] =	ssyncadd.s32 $0xFFFF9C00  }
0x17f: {  	[hbm4b:s17+s2] =	stream.linear.scatter [tilespmem:s8], [sflag:$0x5], $0x6400, $0x38;
	[tilespmem:$0x1A900] =	vst v63  }
0x180: {  	_ =	swait.ge [sflag:s11], $0x6400  }
0x181: {  	s17 =	sld [smem:$0x7F0]  }
0x182: {  	[sflag:s11] =	ssyncset.done $0x0  }
0x183: {  	[sflag:s11] =	ssyncadd.s32 $0xFFFF9C00  }
0x184: {  	[tilespmem:s5], [sflag:$0x3] =	stream.indirect.gather [hbm4b:s3+s4], $0x80, s17, s4, $0xb8;
	[tilespmem:$0x1A900] =	vst v63  }
0x185: {  	_ =	swait.ge [sflag:s14], $0x6400  }
0x186: {  	[sflag:s14] =	ssyncset.done $0x0  }
0x187: {  	s17 =	rddreg [dreg:$0x9];
	[sflag:s14] =	ssyncadd.s32 $0xFFFF9C00  }
0x188: {  	[hbm4b:s17+s2] =	stream.linear.scatter [tilespmem:s7], [sflag:$0x6], $0x6400, $0x38;
	[tilespmem:$0x1A900] =	vst v63  }
0x189: {  	_ =	swait.ge [sflag:s12], $0x6400  }
0x18a: {  	s17 =	sld [smem:$0x7F1]  }
0x18b: {  	[sflag:s12] =	ssyncset.done $0x0  }
0x18c: {  	[sflag:s12] =	ssyncadd.s32 $0xFFFF9C00  }
0x18d: {  	[tilespmem:s6], [sflag:$0x4] =	stream.indirect.gather [hbm4b:s3+s4], $0x80, s17, s4, $0xb8;
	[tilespmem:$0x1A900] =	vst v63  }
0x18e: {  	_ =	swait.ge [sflag:s9], $0x6400  }
0x18f: {  	[sflag:s9] =	ssyncset.done $0x0  }
0x190: {  	s17 =	rddreg [dreg:$0xa];
	[sflag:s9] =	ssyncadd.s32 $0xFFFF9C00  }
0x191: {  	[hbm4b:s17+s2] =	stream.linear.scatter [tilespmem:s5], [sflag:$0x7], $0x6400, $0x38;
	[tilespmem:$0x1A900] =	vst v63  }
0x192: {  	_ =	swait.ge [sflag:s16], $0x6400  }
0x193: {  	s17 =	sld [smem:$0x7F2]  }
0x194: {  	[sflag:s16] =	ssyncset.done $0x0  }
0x195: {  	[sflag:s16] =	ssyncadd.s32 $0xFFFF9C00  }
0x196: {  	[tilespmem:s8], [sflag:$0x1] =	stream.indirect.gather [hbm4b:s3+s4], $0x80, s17, s4, $0xb8;
	[tilespmem:$0x1A900] =	vst v63  }
0x197: {  	_ =	swait.ge [sflag:s13], $0x6400  }
0x198: {  	[sflag:s13] =	ssyncset.done $0x0  }
0x199: {  	s17 =	rddreg [dreg:$0xb];
	[sflag:s13] =	ssyncadd.s32 $0xFFFF9C00  }
0x19a: {  	[hbm4b:s17+s2] =	stream.linear.scatter [tilespmem:s6], [sflag:$0x8], $0x6400, $0x38;
	[tilespmem:$0x1A900] =	vst v63  }
0x19b: {  	_ =	swait.ge [sflag:s10], $0x6400  }
0x19c: {  	s17 =	sld [smem:$0x7F3]  }
0x19d: {  	[sflag:s10] =	ssyncset.done $0x0  }
0x19e: {  	[sflag:s10] =	ssyncadd.s32 $0xFFFF9C00  }
0x19f: {  	[tilespmem:s7], [sflag:$0x2] =	stream.indirect.gather [hbm4b:s3+s4], $0x80, s17, s4, $0xb8;
	[tilespmem:$0x1A900] =	vst v63  }
0x1a0: {  	_ =	swait.ge [sflag:s15], $0x6400  }
0x1a1: {  	[sflag:s15] =	ssyncset.done $0x0  }
0x1a2: {  	s17 =	rddreg [dreg:$0xc];
	[sflag:s15] =	ssyncadd.s32 $0xFFFF9C00  }
0x1a3: {  	[hbm4b:s17+s2] =	stream.linear.scatter [tilespmem:s8], [sflag:$0x5], $0x6400, $0x38;
	[tilespmem:$0x1A900] =	vst v63  }
0x1a4: {  	_ =	swait.ge [sflag:s11], $0x6400  }
0x1a5: {  	s17 =	sld [smem:$0x7F4]  }
0x1a6: {  	[sflag:s11] =	ssyncset.done $0x0  }
0x1a7: {  	[sflag:s11] =	ssyncadd.s32 $0xFFFF9C00  }
0x1a8: {  	[tilespmem:s5], [sflag:$0x3] =	stream.indirect.gather [hbm4b:s3+s4], $0x80, s17, s4, $0xb8;
	[tilespmem:$0x1A900] =	vst v63  }
0x1a9: {  	_ =	swait.ge [sflag:s14], $0x6400  }
0x1aa: {  	[sflag:s14] =	ssyncset.done $0x0  }
0x1ab: {  	s17 =	rddreg [dreg:$0xd];
	[sflag:s14] =	ssyncadd.s32 $0xFFFF9C00  }
0x1ac: {  	[hbm4b:s17+s2] =	stream.linear.scatter [tilespmem:s7], [sflag:$0x6], $0x6400, $0x38;
	[tilespmem:$0x1A900] =	vst v63  }
0x1ad: {  	_ =	swait.ge [sflag:s12], $0x6400  }
0x1ae: {  	s17 =	sld [smem:$0x7F5]  }
0x1af: {  	[sflag:s12] =	ssyncset.done $0x0  }
0x1b0: {  	[sflag:s12] =	ssyncadd.s32 $0xFFFF9C00  }
0x1b1: {  	[tilespmem:s6], [sflag:$0x4] =	stream.indirect.gather [hbm4b:s3+s4], $0x80, s17, s4, $0xb8;
	[tilespmem:$0x1A900] =	vst v63  }
0x1b2: {  	_ =	swait.ge [sflag:s9], $0x6400  }
0x1b3: {  	[sflag:s9] =	ssyncset.done $0x0  }
0x1b4: {  	s17 =	rddreg [dreg:$0xe];
	[sflag:s9] =	ssyncadd.s32 $0xFFFF9C00  }
0x1b5: {  	[hbm4b:s17+s2] =	stream.linear.scatter [tilespmem:s5], [sflag:$0x7], $0x6400, $0x38;
	[tilespmem:$0x1A900] =	vst v63  }
0x1b6: {  	_ =	swait.ge [sflag:s16], $0x6400  }
0x1b7: {  	s17 =	sld [smem:$0x7F6]  }
0x1b8: {  	[sflag:s16] =	ssyncset.done $0x0  }
0x1b9: {  	[sflag:s16] =	ssyncadd.s32 $0xFFFF9C00  }
0x1ba: {  	[tilespmem:s8], [sflag:$0x1] =	stream.indirect.gather [hbm4b:s3+s4], $0x80, s17, s4, $0xb8;
	[tilespmem:$0x1A900] =	vst v63  }
0x1bb: {  	_ =	swait.ge [sflag:s13], $0x6400  }
0x1bc: {  	[sflag:s13] =	ssyncset.done $0x0  }
0x1bd: {  	s17 =	rddreg [dreg:$0xf];
	[sflag:s13] =	ssyncadd.s32 $0xFFFF9C00  }
0x1be: {  	[hbm4b:s17+s2] =	stream.linear.scatter [tilespmem:s6], [sflag:$0x8], $0x6400, $0x38;
	[tilespmem:$0x1A900] =	vst v63  }
0x1bf: {  	_ =	swait.ge [sflag:s10], $0x6400  }
0x1c0: {  	s17 =	sld [smem:$0x7F7]  }
0x1c1: {  	[sflag:s10] =	ssyncset.done $0x0  }
0x1c2: {  	[sflag:s10] =	ssyncadd.s32 $0xFFFF9C00  }
0x1c3: {  	[tilespmem:s7], [sflag:$0x2] =	stream.indirect.gather [hbm4b:s3+s4], $0x80, s17, s4, $0xb8;
	[tilespmem:$0x1A900] =	vst v63  }
0x1c4: {  	_ =	swait.ge [sflag:s15], $0x6400  }
0x1c5: {  	[sflag:s15] =	ssyncset.done $0x0  }
0x1c6: {  	s17 =	rddreg [dreg:$0x10];
	[sflag:s15] =	ssyncadd.s32 $0xFFFF9C00  }
0x1c7: {  	[hbm4b:s17+s2] =	stream.linear.scatter [tilespmem:s8], [sflag:$0x5], $0x6400, $0x38;
	[tilespmem:$0x1A900] =	vst v63  }
0x1c8: {  	_ =	swait.ge [sflag:s11], $0x6400  }
0x1c9: {  	s17 =	sld [smem:$0x7F8]  }
0x1ca: {  	[sflag:s11] =	ssyncset.done $0x0  }
0x1cb: {  	[sflag:s11] =	ssyncadd.s32 $0xFFFF9C00  }
0x1cc: {  	[tilespmem:s5], [sflag:$0x3] =	stream.indirect.gather [hbm4b:s3+s4], $0x80, s17, s4, $0xb8;
	[tilespmem:$0x1A900] =	vst v63  }
0x1cd: {  	_ =	swait.ge [sflag:s14], $0x6400  }
0x1ce: {  	[sflag:s14] =	ssyncset.done $0x0  }
0x1cf: {  	s17 =	rddreg [dreg:$0x11];
	[sflag:s14] =	ssyncadd.s32 $0xFFFF9C00  }
0x1d0: {  	[hbm4b:s17+s2] =	stream.linear.scatter [tilespmem:s7], [sflag:$0x6], $0x6400, $0x38;
	[tilespmem:$0x1A900] =	vst v63  }
0x1d1: {  	_ =	swait.ge [sflag:s12], $0x6400  }
0x1d2: {  	s17 =	sld [smem:$0x7F9]  }
0x1d3: {  	[sflag:s12] =	ssyncset.done $0x0  }
0x1d4: {  	[sflag:s12] =	ssyncadd.s32 $0xFFFF9C00  }
0x1d5: {  	[tilespmem:s6], [sflag:$0x4] =	stream.indirect.gather [hbm4b:s3+s4], $0x80, s17, s4, $0xb8;
	[tilespmem:$0x1A900] =	vst v63  }
0x1d6: {  	_ =	swait.ge [sflag:s9], $0x6400  }
0x1d7: {  	[sflag:s9] =	ssyncset.done $0x0  }
0x1d8: {  	s17 =	rddreg [dreg:$0x12];
	[sflag:s9] =	ssyncadd.s32 $0xFFFF9C00  }
0x1d9: {  	[hbm4b:s17+s2] =	stream.linear.scatter [tilespmem:s5], [sflag:$0x7], $0x6400, $0x38;
	[tilespmem:$0x1A900] =	vst v63  }
0x1da: {  	_ =	swait.ge [sflag:s16], $0x6400  }
0x1db: {  	s17 =	sld [smem:$0x7FA]  }
0x1dc: {  	[sflag:s16] =	ssyncset.done $0x0  }
0x1dd: {  	[sflag:s16] =	ssyncadd.s32 $0xFFFF9C00  }
0x1de: {  	[tilespmem:s8], [sflag:$0x1] =	stream.indirect.gather [hbm4b:s3+s4], $0x80, s17, s4, $0xb8;
	[tilespmem:$0x1A900] =	vst v63  }
0x1df: {  	_ =	swait.ge [sflag:s13], $0x6400  }
0x1e0: {  	[sflag:s13] =	ssyncset.done $0x0  }
0x1e1: {  	s17 =	rddreg [dreg:$0x13];
	[sflag:s13] =	ssyncadd.s32 $0xFFFF9C00  }
0x1e2: {  	[hbm4b:s17+s2] =	stream.linear.scatter [tilespmem:s6], [sflag:$0x8], $0x6400, $0x38;
	[tilespmem:$0x1A900] =	vst v63  }
0x1e3: {  	_ =	swait.ge [sflag:s10], $0x6400  }
0x1e4: {  	s17 =	sld [smem:$0x7FB]  }
0x1e5: {  	[sflag:s10] =	ssyncset.done $0x0  }
0x1e6: {  	[sflag:s10] =	ssyncadd.s32 $0xFFFF9C00  }
0x1e7: {  	[tilespmem:s7], [sflag:$0x2] =	stream.indirect.gather [hbm4b:s3+s4], $0x80, s17, s4, $0xb8;
	[tilespmem:$0x1A900] =	vst v63  }
0x1e8: {  	_ =	swait.ge [sflag:s15], $0x6400  }
0x1e9: {  	[sflag:s15] =	ssyncset.done $0x0  }
0x1ea: {  	s17 =	rddreg [dreg:$0x14];
	[sflag:s15] =	ssyncadd.s32 $0xFFFF9C00  }
0x1eb: {  	[hbm4b:s17+s2] =	stream.linear.scatter [tilespmem:s8], [sflag:$0x5], $0x6400, $0x38;
	[tilespmem:$0x1A900] =	vst v63  }
0x1ec: {  	_ =	swait.ge [sflag:s11], $0x6400  }
0x1ed: {  	s17 =	sld [smem:$0x7FC]  }
0x1ee: {  	[sflag:s11] =	ssyncset.done $0x0  }
0x1ef: {  	[sflag:s11] =	ssyncadd.s32 $0xFFFF9C00  }
0x1f0: {  	[tilespmem:s5], [sflag:$0x3] =	stream.indirect.gather [hbm4b:s3+s4], $0x80, s17, s4, $0xb8;
	[tilespmem:$0x1A900] =	vst v63  }
0x1f1: {  	_ =	swait.ge [sflag:s14], $0x6400  }
0x1f2: {  	[sflag:s14] =	ssyncset.done $0x0  }
0x1f3: {  	s17 =	rddreg [dreg:$0x15];
	[sflag:s14] =	ssyncadd.s32 $0xFFFF9C00  }
0x1f4: {  	[hbm4b:s17+s2] =	stream.linear.scatter [tilespmem:s7], [sflag:$0x6], $0x6400, $0x38;
	[tilespmem:$0x1A900] =	vst v63  }
0x1f5: {  	_ =	swait.ge [sflag:s12], $0x6400  }
0x1f6: {  	s17 =	sld [smem:$0x7FD]  }
0x1f7: {  	[sflag:s12] =	ssyncset.done $0x0  }
0x1f8: {  	[sflag:s12] =	ssyncadd.s32 $0xFFFF9C00  }
0x1f9: {  	[tilespmem:s6], [sflag:$0x4] =	stream.indirect.gather [hbm4b:s3+s4], $0x80, s17, s4, $0xb8;
	[tilespmem:$0x1A900] =	vst v63  }
0x1fa: {  	_ =	swait.ge [sflag:s9], $0x6400  }
0x1fb: {  	[sflag:s9] =	ssyncset.done $0x0  }
0x1fc: {  	s17 =	rddreg [dreg:$0x16];
	[sflag:s9] =	ssyncadd.s32 $0xFFFF9C00  }
0x1fd: {  	[hbm4b:s17+s2] =	stream.linear.scatter [tilespmem:s5], [sflag:$0x7], $0x6400, $0x38;
	[tilespmem:$0x1A900] =	vst v63  }
0x1fe: {  	_ =	swait.ge [sflag:s16], $0x6400  }
0x1ff: {  	[sflag:s16] =	ssyncset.done $0x0  }
0x200: {  	s17 =	simm.s32 $0xFA0;
	[sflag:s16] =	ssyncadd.s32 $0xFFFF9C00  }
0x201: {  	[tilespmem:s8], [sflag:$0x1] =	stream.indirect.gather [hbm4b:s3+s4], $0x80, s17, s4, $0xb8;
	[tilespmem:$0x1A900] =	vst v63  }
0x202: {  	_ =	swait.ge [sflag:s13], $0x6400  }
0x203: {  	[sflag:s13] =	ssyncset.done $0x0  }
0x204: {  	s17 =	rddreg [dreg:$0x17];
	[sflag:s13] =	ssyncadd.s32 $0xFFFF9C00  }
0x205: {  	[hbm4b:s17+s2] =	stream.linear.scatter [tilespmem:s6], [sflag:$0x8], $0x6400, $0x38;
	[tilespmem:$0x1A900] =	vst v63  }
0x206: {  	_ =	swait.ge [sflag:s10], $0x6400  }
0x207: {  	[sflag:s10] =	ssyncset.done $0x0  }
0x208: {  	[sflag:s10] =	ssyncadd.s32 $0xFFFF9C00  }
0x209: {  	[tilespmem:s7], [sflag:$0x2] =	stream.indirect.gather [hbm4b:s3+s4], $0x80, s29, s4, $0xb8;
	[tilespmem:$0x1A900] =	vst v63  }
0x20a: {  	_ =	swait.ge [sflag:s15], $0x6400  }
0x20b: {  	[sflag:s15] =	ssyncset.done $0x0  }
0x20c: {  	s17 =	rddreg [dreg:$0x18];
	[sflag:s15] =	ssyncadd.s32 $0xFFFF9C00  }
0x20d: {  	[hbm4b:s17+s2] =	stream.linear.scatter [tilespmem:s8], [sflag:$0x5], $0x6400, $0x38;
	[tilespmem:$0x1A900] =	vst v63  }
0x20e: {  	_ =	swait.ge [sflag:s11], $0x6400  }
0x20f: {  	[sflag:s11] =	ssyncset.done $0x0  }
0x210: {  	[sflag:s11] =	ssyncadd.s32 $0xFFFF9C00  }
0x211: {  	[tilespmem:s5], [sflag:$0x3] =	stream.indirect.gather [hbm4b:s3+s4], $0x80, s28, s4, $0xb8;
	[tilespmem:$0x1A900] =	vst v63  }
0x212: {  	_ =	swait.ge [sflag:s14], $0x6400  }
0x213: {  	[sflag:s14] =	ssyncset.done $0x0  }
0x214: {  	s17 =	rddreg [dreg:$0x19];
	[sflag:s14] =	ssyncadd.s32 $0xFFFF9C00  }
0x215: {  	[hbm4b:s17+s2] =	stream.linear.scatter [tilespmem:s7], [sflag:$0x6], $0x6400, $0x38;
	[tilespmem:$0x1A900] =	vst v63  }
0x216: {  	_ =	swait.ge [sflag:s12], $0x6400  }
0x217: {  	[sflag:s12] =	ssyncset.done $0x0  }
0x218: {  	[sflag:s12] =	ssyncadd.s32 $0xFFFF9C00  }
0x219: {  	[tilespmem:s6], [sflag:$0x4] =	stream.indirect.gather [hbm4b:s3+s4], $0x80, s26, s4, $0xb8;
	[tilespmem:$0x1A900] =	vst v63  }
0x21a: {  	_ =	swait.ge [sflag:s9], $0x6400  }
0x21b: {  	[sflag:s9] =	ssyncset.done $0x0  }
0x21c: {  	s17 =	rddreg [dreg:$0x1a];
	[sflag:s9] =	ssyncadd.s32 $0xFFFF9C00  }
0x21d: {  	[hbm4b:s17+s2] =	stream.linear.scatter [tilespmem:s5], [sflag:$0x7], $0x6400, $0x38;
	[tilespmem:$0x1A900] =	vst v63  }
0x21e: {  	_ =	swait.ge [sflag:s16], $0x6400  }
0x21f: {  	[sflag:s16] =	ssyncset.done $0x0  }
0x220: {  	[sflag:s16] =	ssyncadd.s32 $0xFFFF9C00  }
0x221: {  	[tilespmem:s8], [sflag:$0x1] =	stream.indirect.gather [hbm4b:s3+s4], $0x80, s25, s4, $0xb8;
	[tilespmem:$0x1A900] =	vst v63  }
0x222: {  	_ =	swait.ge [sflag:s13], $0x6400  }
0x223: {  	[sflag:s13] =	ssyncset.done $0x0  }
0x224: {  	s17 =	rddreg [dreg:$0x1b];
	[sflag:s13] =	ssyncadd.s32 $0xFFFF9C00  }
0x225: {  	[hbm4b:s17+s2] =	stream.linear.scatter [tilespmem:s6], [sflag:$0x8], $0x6400, $0x38;
	[tilespmem:$0x1A900] =	vst v63  }
0x226: {  	_ =	swait.ge [sflag:s10], $0x6400  }
0x227: {  	[sflag:s10] =	ssyncset.done $0x0  }
0x228: {  	[sflag:s10] =	ssyncadd.s32 $0xFFFF9C00  }
0x229: {  	[tilespmem:s7], [sflag:$0x2] =	stream.indirect.gather [hbm4b:s3+s4], $0x80, s24, s4, $0xb8;
	[tilespmem:$0x1A900] =	vst v63  }
0x22a: {  	_ =	swait.ge [sflag:s15], $0x6400  }
0x22b: {  	[sflag:s15] =	ssyncset.done $0x0  }
0x22c: {  	s17 =	rddreg [dreg:$0x1c];
	[sflag:s15] =	ssyncadd.s32 $0xFFFF9C00  }
0x22d: {  	[hbm4b:s17+s2] =	stream.linear.scatter [tilespmem:s8], [sflag:$0x5], $0x6400, $0x38;
	[tilespmem:$0x1A900] =	vst v63  }
0x22e: {  	_ =	swait.ge [sflag:s11], $0x6400  }
0x22f: {  	[sflag:s11] =	ssyncset.done $0x0  }
0x230: {  	[sflag:s11] =	ssyncadd.s32 $0xFFFF9C00  }
0x231: {  	[tilespmem:s5], [sflag:$0x3] =	stream.indirect.gather [hbm4b:s3+s4], $0x80, s23, s4, $0xb8;
	[tilespmem:$0x1A900] =	vst v63  }
0x232: {  	_ =	swait.ge [sflag:s14], $0x6400  }
0x233: {  	[sflag:s14] =	ssyncset.done $0x0  }
0x234: {  	s17 =	rddreg [dreg:$0x1d];
	[sflag:s14] =	ssyncadd.s32 $0xFFFF9C00  }
0x235: {  	[hbm4b:s17+s2] =	stream.linear.scatter [tilespmem:s7], [sflag:$0x6], $0x6400, $0x38;
	[tilespmem:$0x1A900] =	vst v63  }
0x236: {  	_ =	swait.ge [sflag:s12], $0x6400  }
0x237: {  	[sflag:s12] =	ssyncset.done $0x0  }
0x238: {  	[sflag:s12] =	ssyncadd.s32 $0xFFFF9C00  }
0x239: {  	[tilespmem:s6], [sflag:$0x4] =	stream.indirect.gather [hbm4b:s3+s4], $0x80, s22, s4, $0xb8;
	[tilespmem:$0x1A900] =	vst v63  }
0x23a: {  	_ =	swait.ge [sflag:s9], $0x6400  }
0x23b: {  	[sflag:s9] =	ssyncset.done $0x0  }
0x23c: {  	s17 =	rddreg [dreg:$0x1e];
	[sflag:s9] =	ssyncadd.s32 $0xFFFF9C00  }
0x23d: {  	[hbm4b:s17+s2] =	stream.linear.scatter [tilespmem:s5], [sflag:$0x7], $0x6400, $0x38;
	[tilespmem:$0x1A900] =	vst v63  }
0x23e: {  	_ =	swait.ge [sflag:s16], $0x6400  }
0x23f: {  	[sflag:s16] =	ssyncset.done $0x0  }
0x240: {  	[sflag:s16] =	ssyncadd.s32 $0xFFFF9C00  }
0x241: {  	[tilespmem:s8], [sflag:$0x1] =	stream.indirect.gather [hbm4b:s3+s4], $0x80, s21, s4, $0xb8;
	[tilespmem:$0x1A900] =	vst v63  }
0x242: {  	_ =	swait.ge [sflag:s13], $0x6400  }
0x243: {  	[sflag:s13] =	ssyncset.done $0x0  }
0x244: {  	s17 =	rddreg [dreg:$0x1f];
	[sflag:s13] =	ssyncadd.s32 $0xFFFF9C00  }
0x245: {  	[hbm4b:s17+s2] =	stream.linear.scatter [tilespmem:s6], [sflag:$0x8], $0x6400, $0x38;
	[tilespmem:$0x1A900] =	vst v63  }
0x246: {  	_ =	swait.ge [sflag:s10], $0x6400  }
0x247: {  	[sflag:s10] =	ssyncset.done $0x0  }
0x248: {  	[sflag:s10] =	ssyncadd.s32 $0xFFFF9C00  }
0x249: {  	[tilespmem:s7], [sflag:$0x2] =	stream.indirect.gather [hbm4b:s3+s4], $0x80, s20, s4, $0xb8;
	[tilespmem:$0x1A900] =	vst v63  }
0x24a: {  	_ =	swait.ge [sflag:s15], $0x6400  }
0x24b: {  	s17 =	sld [smem:$0x7E8]  }
0x24c: {  	[sflag:s15] =	ssyncset.done $0x0  }
0x24d: {  	[sflag:s15] =	ssyncadd.s32 $0xFFFF9C00  }
0x24e: {  	[hbm4b:s17+s2] =	stream.linear.scatter [tilespmem:s8], [sflag:$0x5], $0x6400, $0x38;
	[tilespmem:$0x1A900] =	vst v63  }
0x24f: {  	_ =	swait.ge [sflag:s11], $0x6400  }
0x250: {  	[sflag:s11] =	ssyncset.done $0x0  }
0x251: {  	[sflag:s11] =	ssyncadd.s32 $0xFFFF9C00  }
0x252: {  	[tilespmem:s5], [sflag:$0x3] =	stream.indirect.gather [hbm4b:s3+s4], $0x80, s19, s4, $0xb8;
	[tilespmem:$0x1A900] =	vst v63  }
0x253: {  	_ =	swait.ge [sflag:s14], $0x6400  }
0x254: {  	s17 =	sld [smem:$0x7E9]  }
0x255: {  	[sflag:s14] =	ssyncset.done $0x0  }
0x256: {  	[sflag:s14] =	ssyncadd.s32 $0xFFFF9C00  }
0x257: {  	[hbm4b:s17+s2] =	stream.linear.scatter [tilespmem:s7], [sflag:$0x6], $0x6400, $0x38;
	[tilespmem:$0x1A900] =	vst v63  }
0x258: {  	_ =	swait.ge [sflag:s12], $0x6400  }
0x259: {  	[sflag:s12] =	ssyncset.done $0x0  }
0x25a: {  	[sflag:s12] =	ssyncadd.s32 $0xFFFF9C00  }
0x25b: {  	[tilespmem:s6], [sflag:$0x4] =	stream.indirect.gather [hbm4b:s3+s4], $0x80, s18, s4, $0xb8;
	[tilespmem:$0x1A900] =	vst v63  }
0x25c: {  	_ =	swait.ge [sflag:s9], $0x6400  }
0x25d: {  	s17 =	sld [smem:$0x7EA]  }
0x25e: {  	[sflag:s9] =	ssyncset.done $0x0  }
0x25f: {  	[sflag:s9] =	ssyncadd.s32 $0xFFFF9C00  }
0x260: {  	[hbm4b:s17+s2] =	stream.linear.scatter [tilespmem:s5], [sflag:$0x7], $0x6400, $0x38;
	[tilespmem:$0x1A900] =	vst v63  }
0x261: {  	_ =	swait.ge [sflag:s13], $0x6400  }
0x262: {  	s17 =	sld [smem:$0x7EB]  }
0x263: {  	[sflag:s13] =	ssyncset.done $0x0  }
0x264: {  	[sflag:s13] =	ssyncadd.s32 $0xFFFF9C00  }
0x265: {  	[hbm4b:s17+s2] =	stream.linear.scatter [tilespmem:s6], [sflag:$0x8], $0x6400, $0x38;
	[tilespmem:$0x1A900] =	vst v63  }
0x266: {  	_ =	swait.ge [sflag:s10], $0x6400  }
0x267: {  	[sflag:s10] =	ssyncset.done $0x0  }
0x268: {  	p1 =	sne.s32 s1, $0x1;
	[sflag:s10] =	ssyncadd.s32 $0xFFFF9C00  }
.Ltmp2:
0x269: {  	_ =	swait.ge [sflag:s11], $0x6400;
	(pc) =	sbr.rel @p1 .LBB2_4-.Ltmp2, $4  }
0x26a: {  	[sflag:s11] =	ssyncset.done $0x0  }
0x26b: {  	[sflag:s11] =	ssyncadd.s32 $0xFFFF9C00  }
0x26c: {  	_ =	swait.ge [sflag:s12], $0x6400  }
0x26d: {  	s1 =	sadd.s32 $0xFFFFFFFF, s1;
	s0 =	rddreg [dreg:$0x4];
	[sflag:s12] =	ssyncset.done $0x0  }
0x26e: {  	s18 =	simm.s32 $0xFA0;
	s29 =	simm.s32 $0x1068;
	s28 =	simm.s32 $0x1130  }
0x26f: {  	s26 =	simm.s32 $0x11F8;
	s25 =	simm.s32 $0x12C0;
	s24 =	simm.s32 $0x1388  }
0x270: {  	s23 =	simm.s32 $0x1450;
	s22 =	simm.s32 $0x1518;
	s21 =	simm.s32 $0x15E0  }
0x271: {  	s20 =	simm.s32 $0x16A8;
	s19 =	simm.s32 $0x1770;
	s17 =	stileid.u32  }
.LBB2_6:
0x272: {  	[sflag:s12] =	ssyncadd.s32 @p0 $0xFFFF9C00  }
0x273: {  	[tilespmem:s2], [sflag:$0x9] =	stream.linear.gather [hbm4b:s0+s2], $0x1900, $0x38;
	[tilespmem:$0x1A900] =	vst v63  }
0x274: {  	_ =	swait.ge [sflag:s31], $0x1900  }
0x275: {  	[sflag:s31] =	ssyncset.done $0x0  }
0x276: {  	[sflag:s31] =	ssyncadd.s32 $0xFFFFE700  }
0x277: {  	[tilespmem:s8], [sflag:$0x1] =	stream.indirect.gather [hbm4b:s3+s4], $0x80, s2, s4, $0xb8;
	[tilespmem:$0x1A900] =	vst v63  }
0x278: {  	_ = 	snop  }
0x279: {  	[tilespmem:s7], [sflag:$0x2] =	stream.indirect.gather [hbm4b:s3+s4], $0x80, s4, s4, $0xb8;
	[tilespmem:$0x1A900] =	vst v63  }
0x27a: {  	_ =	swait.ge [sflag:s15], $0x6400  }
0x27b: {  	[sflag:s15] =	ssyncset.done $0x0  }
0x27c: {  	s1 =	sld [smem:$0x7EC];
	[sflag:s15] =	ssyncadd.s32 $0xFFFF9C00  }
0x27d: {  	[hbm4b:s30+s2] =	stream.linear.scatter [tilespmem:s8], [sflag:$0x5], $0x6400, $0x38;
	[tilespmem:$0x1A900] =	vst v63  }
0x27e: {  	_ = 	snop  }
0x27f: {  	[tilespmem:s5], [sflag:$0x3] =	stream.indirect.gather [hbm4b:s3+s4], $0x80, s1, s4, $0xb8;
	[tilespmem:$0x1A900] =	vst v63  }
0x280: {  	_ =	swait.ge [sflag:s14], $0x6400  }
0x281: {  	s31 =	rddreg [dreg:$0x5];
	[sflag:s14] =	ssyncset.done $0x0  }
0x282: {  	s1 =	sld [smem:$0x7ED];
	[sflag:s14] =	ssyncadd.s32 $0xFFFF9C00  }
0x283: {  	[hbm4b:s31+s2] =	stream.linear.scatter [tilespmem:s7], [sflag:$0x6], $0x6400, $0x38;
	[tilespmem:$0x1A900] =	vst v63  }
0x284: {  	_ = 	snop  }
0x285: {  	[tilespmem:s6], [sflag:$0x4] =	stream.indirect.gather [hbm4b:s3+s4], $0x80, s1, s4, $0xb8;
	[tilespmem:$0x1A900] =	vst v63  }
0x286: {  	_ =	swait.ge [sflag:s9], $0x6400  }
0x287: {  	[sflag:s9] =	ssyncset.done $0x0  }
0x288: {  	s30 =	rddreg [dreg:$0x6];
	[sflag:s9] =	ssyncadd.s32 $0xFFFF9C00  }
0x289: {  	[hbm4b:s30+s2] =	stream.linear.scatter [tilespmem:s5], [sflag:$0x7], $0x6400, $0x38;
	[tilespmem:$0x1A900] =	vst v63  }
0x28a: {  	_ =	swait.ge [sflag:s16], $0x6400  }
0x28b: {  	s31 =	sld [smem:$0x7EE]  }
0x28c: {  	[sflag:s16] =	ssyncset.done $0x0  }
0x28d: {  	[sflag:s16] =	ssyncadd.s32 $0xFFFF9C00  }
0x28e: {  	[tilespmem:s8], [sflag:$0x1] =	stream.indirect.gather [hbm4b:s3+s4], $0x80, s31, s4, $0xb8;
	[tilespmem:$0x1A900] =	vst v63  }
0x28f: {  	_ =	swait.ge [sflag:s13], $0x6400  }
0x290: {  	[sflag:s13] =	ssyncset.done $0x0  }
0x291: {  	s1 =	rddreg [dreg:$0x7];
	[sflag:s13] =	ssyncadd.s32 $0xFFFF9C00  }
0x292: {  	[hbm4b:s1+s2] =	stream.linear.scatter [tilespmem:s6], [sflag:$0x8], $0x6400, $0x38;
	[tilespmem:$0x1A900] =	vst v63  }
0x293: {  	_ =	swait.ge [sflag:s10], $0x6400  }
0x294: {  	s30 =	sld [smem:$0x7EF]  }
0x295: {  	[sflag:s10] =	ssyncset.done $0x0  }
0x296: {  	[sflag:s10] =	ssyncadd.s32 $0xFFFF9C00  }
0x297: {  	[tilespmem:s7], [sflag:$0x2] =	stream.indirect.gather [hbm4b:s3+s4], $0x80, s30, s4, $0xb8;
	[tilespmem:$0x1A900] =	vst v63  }
0x298: {  	_ =	swait.ge [sflag:s15], $0x6400  }
0x299: {  	[sflag:s15] =	ssyncset.done $0x0  }
0x29a: {  	s31 =	rddreg [dreg:$0x8];
	[sflag:s15] =	ssyncadd.s32 $0xFFFF9C00  }
0x29b: {  	[hbm4b:s31+s2] =	stream.linear.scatter [tilespmem:s8], [sflag:$0x5], $0x6400, $0x38;
	[tilespmem:$0x1A900] =	vst v63  }
0x29c: {  	_ =	swait.ge [sflag:s11], $0x6400  }
0x29d: {  	s1 =	sld [smem:$0x7F0]  }
0x29e: {  	[sflag:s11] =	ssyncset.done $0x0  }
0x29f: {  	[sflag:s11] =	ssyncadd.s32 $0xFFFF9C00  }
0x2a0: {  	[tilespmem:s5], [sflag:$0x3] =	stream.indirect.gather [hbm4b:s3+s4], $0x80, s1, s4, $0xb8;
	[tilespmem:$0x1A900] =	vst v63  }
0x2a1: {  	_ =	swait.ge [sflag:s14], $0x6400  }
0x2a2: {  	[sflag:s14] =	ssyncset.done $0x0  }
0x2a3: {  	s30 =	rddreg [dreg:$0x9];
	[sflag:s14] =	ssyncadd.s32 $0xFFFF9C00  }
0x2a4: {  	[hbm4b:s30+s2] =	stream.linear.scatter [tilespmem:s7], [sflag:$0x6], $0x6400, $0x38;
	[tilespmem:$0x1A900] =	vst v63  }
0x2a5: {  	_ =	swait.ge [sflag:s12], $0x6400  }
0x2a6: {  	s31 =	sld [smem:$0x7F1]  }
0x2a7: {  	[sflag:s12] =	ssyncset.done $0x0  }
0x2a8: {  	[sflag:s12] =	ssyncadd.s32 $0xFFFF9C00  }
0x2a9: {  	[tilespmem:s6], [sflag:$0x4] =	stream.indirect.gather [hbm4b:s3+s4], $0x80, s31, s4, $0xb8;
	[tilespmem:$0x1A900] =	vst v63  }
0x2aa: {  	_ =	swait.ge [sflag:s9], $0x6400  }
0x2ab: {  	[sflag:s9] =	ssyncset.done $0x0  }
0x2ac: {  	s1 =	rddreg [dreg:$0xa];
	[sflag:s9] =	ssyncadd.s32 $0xFFFF9C00  }
0x2ad: {  	[hbm4b:s1+s2] =	stream.linear.scatter [tilespmem:s5], [sflag:$0x7], $0x6400, $0x38;
	[tilespmem:$0x1A900] =	vst v63  }
0x2ae: {  	_ =	swait.ge [sflag:s16], $0x6400  }
0x2af: {  	s30 =	sld [smem:$0x7F2]  }
0x2b0: {  	[sflag:s16] =	ssyncset.done $0x0  }
0x2b1: {  	[sflag:s16] =	ssyncadd.s32 $0xFFFF9C00  }
0x2b2: {  	[tilespmem:s8], [sflag:$0x1] =	stream.indirect.gather [hbm4b:s3+s4], $0x80, s30, s4, $0xb8;
	[tilespmem:$0x1A900] =	vst v63  }
0x2b3: {  	_ =	swait.ge [sflag:s13], $0x6400  }
0x2b4: {  	[sflag:s13] =	ssyncset.done $0x0  }
0x2b5: {  	s31 =	rddreg [dreg:$0xb];
	[sflag:s13] =	ssyncadd.s32 $0xFFFF9C00  }
0x2b6: {  	[hbm4b:s31+s2] =	stream.linear.scatter [tilespmem:s6], [sflag:$0x8], $0x6400, $0x38;
	[tilespmem:$0x1A900] =	vst v63  }
0x2b7: {  	_ =	swait.ge [sflag:s10], $0x6400  }
0x2b8: {  	s1 =	sld [smem:$0x7F3]  }
0x2b9: {  	[sflag:s10] =	ssyncset.done $0x0  }
0x2ba: {  	[sflag:s10] =	ssyncadd.s32 $0xFFFF9C00  }
0x2bb: {  	[tilespmem:s7], [sflag:$0x2] =	stream.indirect.gather [hbm4b:s3+s4], $0x80, s1, s4, $0xb8;
	[tilespmem:$0x1A900] =	vst v63  }
0x2bc: {  	_ =	swait.ge [sflag:s15], $0x6400  }
0x2bd: {  	[sflag:s15] =	ssyncset.done $0x0  }
0x2be: {  	s30 =	rddreg [dreg:$0xc];
	[sflag:s15] =	ssyncadd.s32 $0xFFFF9C00  }
0x2bf: {  	[hbm4b:s30+s2] =	stream.linear.scatter [tilespmem:s8], [sflag:$0x5], $0x6400, $0x38;
	[tilespmem:$0x1A900] =	vst v63  }
0x2c0: {  	_ =	swait.ge [sflag:s11], $0x6400  }
0x2c1: {  	s31 =	sld [smem:$0x7F4]  }
0x2c2: {  	[sflag:s11] =	ssyncset.done $0x0  }
0x2c3: {  	[sflag:s11] =	ssyncadd.s32 $0xFFFF9C00  }
0x2c4: {  	[tilespmem:s5], [sflag:$0x3] =	stream.indirect.gather [hbm4b:s3+s4], $0x80, s31, s4, $0xb8;
	[tilespmem:$0x1A900] =	vst v63  }
0x2c5: {  	_ =	swait.ge [sflag:s14], $0x6400  }
0x2c6: {  	[sflag:s14] =	ssyncset.done $0x0  }
0x2c7: {  	s1 =	rddreg [dreg:$0xd];
	[sflag:s14] =	ssyncadd.s32 $0xFFFF9C00  }
0x2c8: {  	[hbm4b:s1+s2] =	stream.linear.scatter [tilespmem:s7], [sflag:$0x6], $0x6400, $0x38;
	[tilespmem:$0x1A900] =	vst v63  }
0x2c9: {  	_ =	swait.ge [sflag:s12], $0x6400  }
0x2ca: {  	s30 =	sld [smem:$0x7F5]  }
0x2cb: {  	[sflag:s12] =	ssyncset.done $0x0  }
0x2cc: {  	[sflag:s12] =	ssyncadd.s32 $0xFFFF9C00  }
0x2cd: {  	[tilespmem:s6], [sflag:$0x4] =	stream.indirect.gather [hbm4b:s3+s4], $0x80, s30, s4, $0xb8;
	[tilespmem:$0x1A900] =	vst v63  }
0x2ce: {  	_ =	swait.ge [sflag:s9], $0x6400  }
0x2cf: {  	[sflag:s9] =	ssyncset.done $0x0  }
0x2d0: {  	s31 =	rddreg [dreg:$0xe];
	[sflag:s9] =	ssyncadd.s32 $0xFFFF9C00  }
0x2d1: {  	[hbm4b:s31+s2] =	stream.linear.scatter [tilespmem:s5], [sflag:$0x7], $0x6400, $0x38;
	[tilespmem:$0x1A900] =	vst v63  }
0x2d2: {  	_ =	swait.ge [sflag:s16], $0x6400  }
0x2d3: {  	s1 =	sld [smem:$0x7F6]  }
0x2d4: {  	[sflag:s16] =	ssyncset.done $0x0  }
0x2d5: {  	[sflag:s16] =	ssyncadd.s32 $0xFFFF9C00  }
0x2d6: {  	[tilespmem:s8], [sflag:$0x1] =	stream.indirect.gather [hbm4b:s3+s4], $0x80, s1, s4, $0xb8;
	[tilespmem:$0x1A900] =	vst v63  }
0x2d7: {  	_ =	swait.ge [sflag:s13], $0x6400  }
0x2d8: {  	[sflag:s13] =	ssyncset.done $0x0  }
0x2d9: {  	s30 =	rddreg [dreg:$0xf];
	[sflag:s13] =	ssyncadd.s32 $0xFFFF9C00  }
0x2da: {  	[hbm4b:s30+s2] =	stream.linear.scatter [tilespmem:s6], [sflag:$0x8], $0x6400, $0x38;
	[tilespmem:$0x1A900] =	vst v63  }
0x2db: {  	_ =	swait.ge [sflag:s10], $0x6400  }
0x2dc: {  	s31 =	sld [smem:$0x7F7]  }
0x2dd: {  	[sflag:s10] =	ssyncset.done $0x0  }
0x2de: {  	[sflag:s10] =	ssyncadd.s32 $0xFFFF9C00  }
0x2df: {  	[tilespmem:s7], [sflag:$0x2] =	stream.indirect.gather [hbm4b:s3+s4], $0x80, s31, s4, $0xb8;
	[tilespmem:$0x1A900] =	vst v63  }
0x2e0: {  	_ =	swait.ge [sflag:s15], $0x6400  }
0x2e1: {  	[sflag:s15] =	ssyncset.done $0x0  }
0x2e2: {  	s1 =	rddreg [dreg:$0x10];
	[sflag:s15] =	ssyncadd.s32 $0xFFFF9C00  }
0x2e3: {  	[hbm4b:s1+s2] =	stream.linear.scatter [tilespmem:s8], [sflag:$0x5], $0x6400, $0x38;
	[tilespmem:$0x1A900] =	vst v63  }
0x2e4: {  	_ =	swait.ge [sflag:s11], $0x6400  }
0x2e5: {  	s30 =	sld [smem:$0x7F8]  }
0x2e6: {  	[sflag:s11] =	ssyncset.done $0x0  }
0x2e7: {  	[sflag:s11] =	ssyncadd.s32 $0xFFFF9C00  }
0x2e8: {  	[tilespmem:s5], [sflag:$0x3] =	stream.indirect.gather [hbm4b:s3+s4], $0x80, s30, s4, $0xb8;
	[tilespmem:$0x1A900] =	vst v63  }
0x2e9: {  	_ =	swait.ge [sflag:s14], $0x6400  }
0x2ea: {  	[sflag:s14] =	ssyncset.done $0x0  }
0x2eb: {  	s31 =	rddreg [dreg:$0x11];
	[sflag:s14] =	ssyncadd.s32 $0xFFFF9C00  }
0x2ec: {  	[hbm4b:s31+s2] =	stream.linear.scatter [tilespmem:s7], [sflag:$0x6], $0x6400, $0x38;
	[tilespmem:$0x1A900] =	vst v63  }
0x2ed: {  	_ =	swait.ge [sflag:s12], $0x6400  }
0x2ee: {  	s1 =	sld [smem:$0x7F9]  }
0x2ef: {  	[sflag:s12] =	ssyncset.done $0x0  }
0x2f0: {  	[sflag:s12] =	ssyncadd.s32 $0xFFFF9C00  }
0x2f1: {  	[tilespmem:s6], [sflag:$0x4] =	stream.indirect.gather [hbm4b:s3+s4], $0x80, s1, s4, $0xb8;
	[tilespmem:$0x1A900] =	vst v63  }
0x2f2: {  	_ =	swait.ge [sflag:s9], $0x6400  }
0x2f3: {  	[sflag:s9] =	ssyncset.done $0x0  }
0x2f4: {  	s30 =	rddreg [dreg:$0x12];
	[sflag:s9] =	ssyncadd.s32 $0xFFFF9C00  }
0x2f5: {  	[hbm4b:s30+s2] =	stream.linear.scatter [tilespmem:s5], [sflag:$0x7], $0x6400, $0x38;
	[tilespmem:$0x1A900] =	vst v63  }
0x2f6: {  	_ =	swait.ge [sflag:s16], $0x6400  }
0x2f7: {  	s31 =	sld [smem:$0x7FA]  }
0x2f8: {  	[sflag:s16] =	ssyncset.done $0x0  }
0x2f9: {  	[sflag:s16] =	ssyncadd.s32 $0xFFFF9C00  }
0x2fa: {  	[tilespmem:s8], [sflag:$0x1] =	stream.indirect.gather [hbm4b:s3+s4], $0x80, s31, s4, $0xb8;
	[tilespmem:$0x1A900] =	vst v63  }
0x2fb: {  	_ =	swait.ge [sflag:s13], $0x6400  }
0x2fc: {  	[sflag:s13] =	ssyncset.done $0x0  }
0x2fd: {  	s1 =	rddreg [dreg:$0x13];
	[sflag:s13] =	ssyncadd.s32 $0xFFFF9C00  }
0x2fe: {  	[hbm4b:s1+s2] =	stream.linear.scatter [tilespmem:s6], [sflag:$0x8], $0x6400, $0x38;
	[tilespmem:$0x1A900] =	vst v63  }
0x2ff: {  	_ =	swait.ge [sflag:s10], $0x6400  }
0x300: {  	s30 =	sld [smem:$0x7FB]  }
0x301: {  	[sflag:s10] =	ssyncset.done $0x0  }
0x302: {  	[sflag:s10] =	ssyncadd.s32 $0xFFFF9C00  }
0x303: {  	[tilespmem:s7], [sflag:$0x2] =	stream.indirect.gather [hbm4b:s3+s4], $0x80, s30, s4, $0xb8;
	[tilespmem:$0x1A900] =	vst v63  }
0x304: {  	_ =	swait.ge [sflag:s15], $0x6400  }
0x305: {  	[sflag:s15] =	ssyncset.done $0x0  }
0x306: {  	s31 =	rddreg [dreg:$0x14];
	[sflag:s15] =	ssyncadd.s32 $0xFFFF9C00  }
0x307: {  	[hbm4b:s31+s2] =	stream.linear.scatter [tilespmem:s8], [sflag:$0x5], $0x6400, $0x38;
	[tilespmem:$0x1A900] =	vst v63  }
0x308: {  	_ =	swait.ge [sflag:s11], $0x6400  }
0x309: {  	s1 =	sld [smem:$0x7FC]  }
0x30a: {  	[sflag:s11] =	ssyncset.done $0x0  }
0x30b: {  	[sflag:s11] =	ssyncadd.s32 $0xFFFF9C00  }
0x30c: {  	[tilespmem:s5], [sflag:$0x3] =	stream.indirect.gather [hbm4b:s3+s4], $0x80, s1, s4, $0xb8;
	[tilespmem:$0x1A900] =	vst v63  }
0x30d: {  	_ =	swait.ge [sflag:s14], $0x6400  }
0x30e: {  	[sflag:s14] =	ssyncset.done $0x0  }
0x30f: {  	s30 =	rddreg [dreg:$0x15];
	[sflag:s14] =	ssyncadd.s32 $0xFFFF9C00  }
0x310: {  	[hbm4b:s30+s2] =	stream.linear.scatter [tilespmem:s7], [sflag:$0x6], $0x6400, $0x38;
	[tilespmem:$0x1A900] =	vst v63  }
0x311: {  	_ =	swait.ge [sflag:s12], $0x6400  }
0x312: {  	s31 =	sld [smem:$0x7FD]  }
0x313: {  	[sflag:s12] =	ssyncset.done $0x0  }
0x314: {  	[sflag:s12] =	ssyncadd.s32 $0xFFFF9C00  }
0x315: {  	[tilespmem:s6], [sflag:$0x4] =	stream.indirect.gather [hbm4b:s3+s4], $0x80, s31, s4, $0xb8;
	[tilespmem:$0x1A900] =	vst v63  }
0x316: {  	_ =	swait.ge [sflag:s9], $0x6400  }
0x317: {  	[sflag:s9] =	ssyncset.done $0x0  }
0x318: {  	s1 =	rddreg [dreg:$0x16];
	[sflag:s9] =	ssyncadd.s32 $0xFFFF9C00  }
0x319: {  	[hbm4b:s1+s2] =	stream.linear.scatter [tilespmem:s5], [sflag:$0x7], $0x6400, $0x38;
	[tilespmem:$0x1A900] =	vst v63  }
0x31a: {  	_ =	swait.ge [sflag:s16], $0x6400  }
0x31b: {  	[sflag:s16] =	ssyncset.done $0x0  }
0x31c: {  	[sflag:s16] =	ssyncadd.s32 $0xFFFF9C00  }
0x31d: {  	[tilespmem:s8], [sflag:$0x1] =	stream.indirect.gather [hbm4b:s3+s4], $0x80, s18, s4, $0xb8;
	[tilespmem:$0x1A900] =	vst v63  }
0x31e: {  	_ =	swait.ge [sflag:s13], $0x6400  }
0x31f: {  	[sflag:s13] =	ssyncset.done $0x0  }
0x320: {  	s18 =	rddreg [dreg:$0x17];
	[sflag:s13] =	ssyncadd.s32 $0xFFFF9C00  }
0x321: {  	[hbm4b:s18+s2] =	stream.linear.scatter [tilespmem:s6], [sflag:$0x8], $0x6400, $0x38;
	[tilespmem:$0x1A900] =	vst v63  }
0x322: {  	_ =	swait.ge [sflag:s10], $0x6400  }
0x323: {  	[sflag:s10] =	ssyncset.done $0x0  }
0x324: {  	[sflag:s10] =	ssyncadd.s32 $0xFFFF9C00  }
0x325: {  	[tilespmem:s7], [sflag:$0x2] =	stream.indirect.gather [hbm4b:s3+s4], $0x80, s29, s4, $0xb8;
	[tilespmem:$0x1A900] =	vst v63  }
0x326: {  	_ =	swait.ge [sflag:s15], $0x6400  }
0x327: {  	[sflag:s15] =	ssyncset.done $0x0  }
0x328: {  	s29 =	rddreg [dreg:$0x18];
	[sflag:s15] =	ssyncadd.s32 $0xFFFF9C00  }
0x329: {  	[hbm4b:s29+s2] =	stream.linear.scatter [tilespmem:s8], [sflag:$0x5], $0x6400, $0x38;
	[tilespmem:$0x1A900] =	vst v63  }
0x32a: {  	_ =	swait.ge [sflag:s11], $0x6400  }
0x32b: {  	[sflag:s11] =	ssyncset.done $0x0  }
0x32c: {  	[sflag:s11] =	ssyncadd.s32 $0xFFFF9C00  }
0x32d: {  	[tilespmem:s5], [sflag:$0x3] =	stream.indirect.gather [hbm4b:s3+s4], $0x80, s28, s4, $0xb8;
	[tilespmem:$0x1A900] =	vst v63  }
0x32e: {  	_ =	swait.ge [sflag:s14], $0x6400  }
0x32f: {  	[sflag:s14] =	ssyncset.done $0x0  }
0x330: {  	s30 =	rddreg [dreg:$0x19];
	[sflag:s14] =	ssyncadd.s32 $0xFFFF9C00  }
0x331: {  	[hbm4b:s30+s2] =	stream.linear.scatter [tilespmem:s7], [sflag:$0x6], $0x6400, $0x38;
	[tilespmem:$0x1A900] =	vst v63  }
0x332: {  	_ =	swait.ge [sflag:s12], $0x6400  }
0x333: {  	[sflag:s12] =	ssyncset.done $0x0  }
0x334: {  	[sflag:s12] =	ssyncadd.s32 $0xFFFF9C00  }
0x335: {  	[tilespmem:s6], [sflag:$0x4] =	stream.indirect.gather [hbm4b:s3+s4], $0x80, s26, s4, $0xb8;
	[tilespmem:$0x1A900] =	vst v63  }
0x336: {  	_ =	swait.ge [sflag:s9], $0x6400  }
0x337: {  	[sflag:s9] =	ssyncset.done $0x0  }
0x338: {  	s31 =	rddreg [dreg:$0x1a];
	[sflag:s9] =	ssyncadd.s32 $0xFFFF9C00  }
0x339: {  	[hbm4b:s31+s2] =	stream.linear.scatter [tilespmem:s5], [sflag:$0x7], $0x6400, $0x38;
	[tilespmem:$0x1A900] =	vst v63  }
0x33a: {  	_ =	swait.ge [sflag:s16], $0x6400  }
0x33b: {  	[sflag:s16] =	ssyncset.done $0x0  }
0x33c: {  	[sflag:s16] =	ssyncadd.s32 $0xFFFF9C00  }
0x33d: {  	[tilespmem:s8], [sflag:$0x1] =	stream.indirect.gather [hbm4b:s3+s4], $0x80, s25, s4, $0xb8;
	[tilespmem:$0x1A900] =	vst v63  }
0x33e: {  	_ =	swait.ge [sflag:s13], $0x6400  }
0x33f: {  	[sflag:s13] =	ssyncset.done $0x0  }
0x340: {  	s1 =	rddreg [dreg:$0x1b];
	[sflag:s13] =	ssyncadd.s32 $0xFFFF9C00  }
0x341: {  	[hbm4b:s1+s2] =	stream.linear.scatter [tilespmem:s6], [sflag:$0x8], $0x6400, $0x38;
	[tilespmem:$0x1A900] =	vst v63  }
0x342: {  	_ =	swait.ge [sflag:s10], $0x6400  }
0x343: {  	[sflag:s10] =	ssyncset.done $0x0  }
0x344: {  	[sflag:s10] =	ssyncadd.s32 $0xFFFF9C00  }
0x345: {  	[tilespmem:s7], [sflag:$0x2] =	stream.indirect.gather [hbm4b:s3+s4], $0x80, s24, s4, $0xb8;
	[tilespmem:$0x1A900] =	vst v63  }
0x346: {  	_ =	swait.ge [sflag:s15], $0x6400  }
0x347: {  	[sflag:s15] =	ssyncset.done $0x0  }
0x348: {  	s18 =	rddreg [dreg:$0x1c];
	[sflag:s15] =	ssyncadd.s32 $0xFFFF9C00  }
0x349: {  	[hbm4b:s18+s2] =	stream.linear.scatter [tilespmem:s8], [sflag:$0x5], $0x6400, $0x38;
	[tilespmem:$0x1A900] =	vst v63  }
0x34a: {  	_ =	swait.ge [sflag:s11], $0x6400  }
0x34b: {  	[sflag:s11] =	ssyncset.done $0x0  }
0x34c: {  	[sflag:s11] =	ssyncadd.s32 $0xFFFF9C00  }
0x34d: {  	[tilespmem:s5], [sflag:$0x3] =	stream.indirect.gather [hbm4b:s3+s4], $0x80, s23, s4, $0xb8;
	[tilespmem:$0x1A900] =	vst v63  }
0x34e: {  	_ =	swait.ge [sflag:s14], $0x6400  }
0x34f: {  	[sflag:s14] =	ssyncset.done $0x0  }
0x350: {  	s23 =	rddreg [dreg:$0x1d];
	[sflag:s14] =	ssyncadd.s32 $0xFFFF9C00  }
0x351: {  	[hbm4b:s23+s2] =	stream.linear.scatter [tilespmem:s7], [sflag:$0x6], $0x6400, $0x38;
	[tilespmem:$0x1A900] =	vst v63  }
0x352: {  	_ =	swait.ge [sflag:s12], $0x6400  }
0x353: {  	[sflag:s12] =	ssyncset.done $0x0  }
0x354: {  	[sflag:s12] =	ssyncadd.s32 $0xFFFF9C00  }
0x355: {  	[tilespmem:s6], [sflag:$0x4] =	stream.indirect.gather [hbm4b:s3+s4], $0x80, s22, s4, $0xb8;
	[tilespmem:$0x1A900] =	vst v63  }
0x356: {  	_ =	swait.ge [sflag:s9], $0x6400  }
0x357: {  	[sflag:s9] =	ssyncset.done $0x0  }
0x358: {  	s24 =	rddreg [dreg:$0x1e];
	[sflag:s9] =	ssyncadd.s32 $0xFFFF9C00  }
0x359: {  	[hbm4b:s24+s2] =	stream.linear.scatter [tilespmem:s5], [sflag:$0x7], $0x6400, $0x38;
	[tilespmem:$0x1A900] =	vst v63  }
0x35a: {  	_ =	swait.ge [sflag:s16], $0x6400  }
0x35b: {  	[sflag:s16] =	ssyncset.done $0x0  }
0x35c: {  	[sflag:s16] =	ssyncadd.s32 $0xFFFF9C00  }
0x35d: {  	[tilespmem:s8], [sflag:$0x1] =	stream.indirect.gather [hbm4b:s3+s4], $0x80, s21, s4, $0xb8;
	[tilespmem:$0x1A900] =	vst v63  }
0x35e: {  	_ =	swait.ge [sflag:s13], $0x6400  }
0x35f: {  	[sflag:s13] =	ssyncset.done $0x0  }
0x360: {  	s25 =	rddreg [dreg:$0x1f];
	[sflag:s13] =	ssyncadd.s32 $0xFFFF9C00  }
0x361: {  	[hbm4b:s25+s2] =	stream.linear.scatter [tilespmem:s6], [sflag:$0x8], $0x6400, $0x38;
	[tilespmem:$0x1A900] =	vst v63  }
0x362: {  	_ =	swait.ge [sflag:s10], $0x6400  }
0x363: {  	[sflag:s10] =	ssyncset.done $0x0  }
0x364: {  	[sflag:s10] =	ssyncadd.s32 $0xFFFF9C00  }
0x365: {  	[tilespmem:s7], [sflag:$0x2] =	stream.indirect.gather [hbm4b:s3+s4], $0x80, s20, s4, $0xb8;
	[tilespmem:$0x1A900] =	vst v63  }
0x366: {  	_ =	swait.ge [sflag:s15], $0x6400  }
0x367: {  	s26 =	sld [smem:$0x7E8]  }
0x368: {  	[sflag:s15] =	ssyncset.done $0x0  }
0x369: {  	[sflag:s15] =	ssyncadd.s32 $0xFFFF9C00  }
0x36a: {  	[hbm4b:s26+s2] =	stream.linear.scatter [tilespmem:s8], [sflag:$0x5], $0x6400, $0x38;
	[tilespmem:$0x1A900] =	vst v63  }
0x36b: {  	_ =	swait.ge [sflag:s11], $0x6400  }
0x36c: {  	[sflag:s11] =	ssyncset.done $0x0  }
0x36d: {  	[sflag:s11] =	ssyncadd.s32 $0xFFFF9C00  }
0x36e: {  	[tilespmem:s5], [sflag:$0x3] =	stream.indirect.gather [hbm4b:s3+s4], $0x80, s19, s4, $0xb8;
	[tilespmem:$0x1A900] =	vst v63  }
0x36f: {  	_ =	swait.ge [sflag:s14], $0x6400  }
0x370: {  	s28 =	sld [smem:$0x7E9]  }
0x371: {  	[sflag:s14] =	ssyncset.done $0x0  }
0x372: {  	[sflag:s14] =	ssyncadd.s32 $0xFFFF9C00  }
0x373: {  	[hbm4b:s28+s2] =	stream.linear.scatter [tilespmem:s7], [sflag:$0x6], $0x6400, $0x38;
	[tilespmem:$0x1A900] =	vst v63  }
0x374: {  	_ =	swait.ge [sflag:s12], $0x6400  }
0x375: {  	[sflag:s12] =	ssyncset.done $0x0  }
0x376: {  	s29 =	simm.s32 $0x1838;
	[sflag:s12] =	ssyncadd.s32 $0xFFFF9C00  }
0x377: {  	[tilespmem:s6], [sflag:$0x4] =	stream.indirect.gather [hbm4b:s3+s4], $0x80, s29, s4, $0xb8;
	[tilespmem:$0x1A900] =	vst v63  }
0x378: {  	_ =	swait.ge [sflag:s9], $0x6400  }
0x379: {  	s30 =	sld [smem:$0x7EA]  }
0x37a: {  	[sflag:s9] =	ssyncset.done $0x0  }
0x37b: {  	[sflag:s9] =	ssyncadd.s32 $0xFFFF9C00  }
0x37c: {  	[hbm4b:s30+s2] =	stream.linear.scatter [tilespmem:s5], [sflag:$0x7], $0x6400, $0x38;
	[tilespmem:$0x1A900] =	vst v63  }
0x37d: {  	_ =	swait.ge [sflag:s13], $0x6400  }
0x37e: {  	s31 =	sld [smem:$0x7EB]  }
0x37f: {  	[sflag:s13] =	ssyncset.done $0x0  }
0x380: {  	[sflag:s13] =	ssyncadd.s32 $0xFFFF9C00  }
0x381: {  	[hbm4b:s31+s2] =	stream.linear.scatter [tilespmem:s6], [sflag:$0x8], $0x6400, $0x38;
	[tilespmem:$0x1A900] =	vst v63  }
0x382: {  	_ =	swait.ge [sflag:s10], $0x6400  }
0x383: {  	[sflag:s10] =	ssyncset.done $0x0  }
0x384: {  	[sflag:s10] =	ssyncadd.s32 $0xFFFF9C00  }
0x385: {  	_ =	swait.ge [sflag:s11], $0x6400  }
0x386: {  	[sflag:s11] =	ssyncset.done $0x0  }
0x387: {  	[sflag:s11] =	ssyncadd.s32 $0xFFFF9C00  }
0x388: {  	_ =	swait.ge [sflag:s12], $0x6400  }
0x389: {  	[sflag:s12] =	ssyncset.done $0x0  }
0x38a: {  	[sflag:s12] =	ssyncadd.s32 $0xFFFF9C00  }
0x38b: {  	_ =	sfence.sel $0x180000  }
0x38c: {  	[bflag:$0x0] =	sbarrier.arrive $0xFFFF  }
0x38d: {  	_ =	strace $0x90000047  }
0x38e: {  	[bflag:$0x2] =	sbarrier.arrive $0xFFFF  }
0x38f: {  	p0 =	sne.s32 s17, $0x0;
	s0 =	rddreg [dreg:$0x3]  }
0x390: {  	s0 =	sadd.s32 @!p0 $0x100000, s0  }
0x391: {  	[sflag:s0] =	ssyncadd.tile.s32 @!p0 $0x1;
	_ =	shalt  }
.LBB2_1:
.Ltmp3:
0x392: {  	(pc) =	sbr.rel .LBB2_6-.Ltmp3, $4  }
0x393: {  	s18 =	simm.s32 $0xFA0;
	s29 =	simm.s32 $0x1068  }
0x394: {  	s28 =	simm.s32 $0x1130;
	s26 =	simm.s32 $0x11F8;
	s25 =	simm.s32 $0x12C0  }
0x395: {  	s24 =	simm.s32 $0x1388;
	s23 =	simm.s32 $0x1450;
	s22 =	simm.s32 $0x1518  }
0x396: {  	s21 =	simm.s32 $0x15E0;
	s20 =	simm.s32 $0x16A8;
	s19 =	simm.s32 $0x1770  }
.LBB2_3:
.Ltmp4:
0x397: {  	(pc) =	sbr.rel .LBB2_6-.Ltmp4, $4  }
0x398: {  	s18 =	simm.s32 $0xFA0;
	s29 =	simm.s32 $0x1068;
	s28 =	simm.s32 $0x1130  }
0x399: {  	s26 =	simm.s32 $0x11F8;
	s25 =	simm.s32 $0x12C0;
	s24 =	simm.s32 $0x1388  }
0x39a: {  	s23 =	simm.s32 $0x1450;
	s22 =	simm.s32 $0x1518;
	s21 =	simm.s32 $0x15E0  }
0x39b: {  	s20 =	simm.s32 $0x16A8;
	s19 =	simm.s32 $0x1770;
	s17 =	stileid.u32  }
.Lfunc_end2:
_tile_overlayer_lowered:
.L_overlay_start_2:
0x39c: {  	(tag) =	ssettag $0x2  }
0x39d: {  	s0 =	rddreg [dreg:$0x0];
	s2 =	stileid.u32  }
0x39e: {  	s1 =	rddreg [dreg:$0x1];
	p0 =	sne.s32 s2, $0x0  }
0x39f: {  	s3 =	rddreg [dreg:$0x2];
	[bflag:$0x3] =	sbarrier.arrive $0xFFFF;
	s2 =	simm.s32 @!p0 $0x1C09  }
0x3a0: {  	[timem:s3], [sflag:s2] =	dma.local @!p0 [hbm:s0], s1  }
0x3a1: {  	s0 =	simm.s32 @!p0 $0x9  }
0x3a2: {  	_ =	swait.ge @!p0 [sflag:s0], s1  }
0x3a3: {  	s1 =	ssub.s32 @!p0 $0x0, s1;
	[sflag:s0] =	ssyncset.done @!p0 $0x0  }
0x3a4: {  	[sflag:s0] =	ssyncadd.s32 @!p0 s1  }
0x3a5: {  	[bflag:$0x3] =	sbarrier.arrive $0xFFFF  }
0x3a6: {  	_ =	shalt  }

</sc_bundles>
